<compile_context>
chip_gen: v7x
topology: tpu7x:2x2x1
jax: 0.10.2.dev20260603
libtpu: 0.0.44.dev20260713+nightly
codegen_flags: <defaults>
</compile_context>

<pallas_src>
import functools

import jax
import jax.numpy as jnp
import numpy as np
from jax import lax
from jax.experimental import pallas as pl
from jax.experimental.pallas import tpu as pltpu
from jax.experimental.pallas import tpu_sc as plsc

TOP_K = 8
NUM_EXPERTS = 64
NUM_TOKENS_TOTAL = 32768
NC, NS, L = 2, 16, 16
NW = NC * NS
TOK_PER_W = NUM_TOKENS_TOTAL // NW
CHUNK = 512

_GDN = lax.GatherDimensionNumbers(
    offset_dims=(), collapsed_slice_dims=(0,), start_index_map=(0,)
)


def _perm(x, idx):
    return lax.gather(
        x, idx[:, None], _GDN, (1,), mode=lax.GatherScatterMode.PROMISE_IN_BOUNDS
    )


def _rev(x):
    return lax.rev(x, (0,))


def _merge(ka, va, kb, vb):
    krb = _rev(kb)
    vrb = _rev(vb)
    c = ka >= krb
    return jnp.where(c, ka, krb), jnp.where(c, va, vrb)


def _topk_body(x_hbm, w_hbm, id_hbm, x_v, w_v, id_v):
    wid = lax.axis_index("c") * NS + lax.axis_index("s")
    base = wid * TOK_PER_W

    lane = lax.iota(jnp.int32, L)
    iotas = [lane + j * L for j in range(4)]
    lt8 = lane < TOP_K
    zeros16 = lane * 0
    fifteens = zeros16 + 15
    pack_hi = jnp.maximum(lane - TOP_K, 0)
    m_idx = jnp.where(lt8, 0, TOP_K)
    sevens = zeros16 + 7

    def one_token(t):
        ks, vs = [], []
        for j in range(4):
            k, v = plsc.sort_key_val(
                x_v[t, pl.ds(j * L, L)], iotas[j], descending=True
            )
            ks.append(k)
            vs.append(v)
        hk1, hv1 = _merge(ks[0], vs[0], ks[1], vs[1])
        hk2, hv2 = _merge(ks[2], vs[2], ks[3], vs[3])
        sk1, sv1 = plsc.sort_key_val(hk1, hv1, descending=True)
        sk2, sv2 = plsc.sort_key_val(hk2, hv2, descending=True)
        mk, mv = _merge(sk1, sv1, sk2, sv2)
        fk, fv = plsc.sort_key_val(mk, mv, descending=True)
        return fk, fv

    def make_body(c):
        def body(p):
            t0 = 2 * p
            k0, i0 = one_token(t0)
            k1, i1 = one_token(t0 + 1)
            kp = jnp.where(lt8, k0, _perm(k1, pack_hi))
            ip = jnp.where(lt8, i0, _perm(i1, pack_hi))
            mp = _perm(kp, m_idx)
            e = jnp.exp(kp - mp)
            cs = lax.cumsum(e, axis=0)
            s0 = _perm(cs, sevens)
            s1 = _perm(cs, fifteens) - s0
            s = jnp.where(lt8, s0, s1)
            q = c * (CHUNK // 2) + p
            cidx = lane % TOP_K
            tidx = jnp.where(lt8, 2 * q, 2 * q + 1)
            plsc.store_scatter(w_v, [cidx, tidx], e / s)
            plsc.store_scatter(id_v, [cidx, tidx], ip)

        return body

    for c in range(TOK_PER_W // CHUNK):
        pltpu.sync_copy(x_hbm.at[pl.ds(base + c * CHUNK, CHUNK)], x_v)
        plsc.parallel_loop(0, CHUNK // 2, unroll=2)(make_body(c))

    pltpu.sync_copy(w_v, w_hbm.at[:, pl.ds(base, TOK_PER_W)])
    pltpu.sync_copy(id_v, id_hbm.at[:, pl.ds(base, TOK_PER_W)])


def _expand_kernel(wf_ref, if_ref, w_ref, id_ref):
    w_ref[:, :] = wf_ref[:, :].T
    id_ref[:, :] = if_ref[:, :].T


_EXP_BLOCK = 4096


def _expand(w_flat, id_flat):
    n = NUM_TOKENS_TOTAL
    grid = (n // _EXP_BLOCK,)
    return pl.pallas_call(
        _expand_kernel,
        grid=grid,
        in_specs=[
            pl.BlockSpec((TOP_K, _EXP_BLOCK), lambda i: (0, i)),
            pl.BlockSpec((TOP_K, _EXP_BLOCK), lambda i: (0, i)),
        ],
        out_specs=[
            pl.BlockSpec((_EXP_BLOCK, TOP_K), lambda i: (i, 0)),
            pl.BlockSpec((_EXP_BLOCK, TOP_K), lambda i: (i, 0)),
        ],
        out_shape=[
            jax.ShapeDtypeStruct((n, TOP_K), jnp.float32),
            jax.ShapeDtypeStruct((n, TOP_K), jnp.int32),
        ],
        compiler_params=pltpu.CompilerParams(
            dimension_semantics=("parallel",),
        ),
    )(w_flat, id_flat)


@jax.jit
def _sc_topk(router_logits_fp32):
    n = NUM_TOKENS_TOTAL
    mesh = plsc.VectorSubcoreMesh(core_axis_name="c", subcore_axis_name="s")
    w_flat, id_flat = pl.kernel(
        _topk_body,
        out_type=[
            jax.ShapeDtypeStruct((TOP_K, n), jnp.float32),
            jax.ShapeDtypeStruct((TOP_K, n), jnp.int32),
        ],
        mesh=mesh,
        compiler_params=pltpu.CompilerParams(needs_layout_passes=False),
        scratch_types=[
            pltpu.VMEM((CHUNK, NUM_EXPERTS), jnp.float32),
            pltpu.VMEM((TOP_K, TOK_PER_W), jnp.float32),
            pltpu.VMEM((TOP_K, TOK_PER_W), jnp.int32),
        ],
    )(router_logits_fp32)
    return _expand(w_flat, id_flat)


def kernel(router_logits_fp32, topk_ids, topk_weights):
    del topk_ids, topk_weights
    w, ids = _sc_topk(router_logits_fp32)
    return (w, ids, ids)

# --- scband reference (transcript-rebuilt; emitter-appended) ---
"""Pipeline reference for scband-select-topk-53094385713154 (READ-ONLY COPY).

The authoritative reference and input builder live on the scoring server;
editing this copy changes nothing except your own understanding.
"""

import jax, jax.numpy as jnp
import numpy as np

TOP_K = 8
NUM_TOKENS = 32768
NUM_EXPERTS = 64

def setup_inputs(seed: int = 0) -> dict:
    key = jax.random.key(seed)
    k1, _ = jax.random.split(key)
    router_logits_fp32 = jax.random.normal(k1, (NUM_TOKENS, NUM_EXPERTS), dtype=jnp.float32)
    topk_ids = jnp.zeros((NUM_TOKENS, TOP_K), dtype=jnp.int32)
    topk_weights = jnp.zeros((NUM_TOKENS, TOP_K), dtype=jnp.float32)
    return {"router_logits_fp32": router_logits_fp32, "topk_ids": topk_ids, "topk_weights": topk_weights}

def reference(router_logits_fp32, topk_ids, topk_weights):
    # Faithful translation of aiter.topk_softmax(topk_weights, topk_ids, token_expert_indicies,
    #                                             router_logits_fp32, need_renorm=True):
    # 1) softmax over experts, 2) top-k selection, 3) renormalize selected weights to sum to 1.
    probs = jax.nn.softmax(router_logits_fp32.astype(jnp.float32), axis=-1)
    w, ids = jax.lax.top_k(probs, TOP_K)
    w = w / jnp.sum(w, axis=-1, keepdims=True)
    topk_ids_out = ids.astype(jnp.int32)
    token_expert_indicies = ids.astype(jnp.int32)
    return (w, topk_ids_out, token_expert_indicies)

if __name__ == "__main__":
    import jax
    _d = setup_inputs()
    print(jax.jit(kernel)(*tuple(_d.values())))

</pallas_src>

<mosaic_0001>
#map = affine_map<(d0, d1) -> (0, 0)>
module attributes {stable_mosaic.version = 14 : i64} {
  func.func @_topk_body(%arg0: i32, %arg1: i32, %arg2: memref<32768x64xf32, #tpu.memory_space<hbm>>, %arg3: memref<8x32768xf32, #tpu.memory_space<hbm>>, %arg4: memref<8x32768xi32, #tpu.memory_space<hbm>>, %arg5: memref<512x64xf32, #tpu.memory_space<vmem>>, %arg6: memref<8x1024xf32, #tpu.memory_space<vmem>>, %arg7: memref<8x1024xi32, #tpu.memory_space<vmem>>) attributes {dimension_semantics = [#tpu.dimension_semantics<core_parallel>, #tpu.dimension_semantics<subcore_parallel>], iteration_bounds = array<i64: 2, 16>, scalar_prefetch = 0 : i64, scratch_operands = 3 : i64, tpu.core_type = #tpu.core_type<sc_vector_subcore>, window_params = [{transform_indices = #map}, {transform_indices = #map}, {transform_indices = #map}]} {
    %mul3A = arith.constant 16 : i32
    %mul3A_0 = arith.muli %arg0, %mul3A : i32
    %add3A = arith.addi %mul3A_0, %arg1 : i32
    %mul3A_1 = arith.constant 1024 : i32
    %mul3A_2 = arith.muli %add3A, %mul3A_1 : i32
    %iota3A = tpu.iota {dimensions = array<i32: 0>} : vector<16xi32>
    %add3A_3 = arith.constant 0 : i32
    %add3A_4 = vector.broadcast %add3A_3 : i32 to vector<16xi32>
    %add3A_5 = arith.addi %iota3A, %add3A_4 : vector<16xi32>
    %add3A_6 = arith.constant 16 : i32
    %add3A_7 = vector.broadcast %add3A_6 : i32 to vector<16xi32>
    %add3A_8 = arith.addi %iota3A, %add3A_7 : vector<16xi32>
    %add3A_9 = arith.constant 32 : i32
    %add3A_10 = vector.broadcast %add3A_9 : i32 to vector<16xi32>
    %add3A_11 = arith.addi %iota3A, %add3A_10 : vector<16xi32>
    %add3A_12 = arith.constant 48 : i32
    %add3A_13 = vector.broadcast %add3A_12 : i32 to vector<16xi32>
    %add3A_14 = arith.addi %iota3A, %add3A_13 : vector<16xi32>
    %lt3A = arith.constant 8 : i32
    %lt3A_15 = vector.broadcast %lt3A : i32 to vector<16xi32>
    %lt3A_16 = arith.cmpi slt, %iota3A, %lt3A_15 : vector<16xi32>
    %mul3A_17 = arith.constant 0 : i32
    %mul3A_18 = vector.broadcast %mul3A_17 : i32 to vector<16xi32>
    %mul3A_19 = arith.muli %iota3A, %mul3A_18 : vector<16xi32>
    %add3A_20 = arith.constant 15 : i32
    %add3A_21 = vector.broadcast %add3A_20 : i32 to vector<16xi32>
    %add3A_22 = arith.addi %mul3A_19, %add3A_21 : vector<16xi32>
    %sub3A = arith.constant 8 : i32
    %sub3A_23 = vector.broadcast %sub3A : i32 to vector<16xi32>
    %sub3A_24 = arith.subi %iota3A, %sub3A_23 : vector<16xi32>
    %max3A = arith.constant 0 : i32
    %max3A_25 = vector.broadcast %max3A : i32 to vector<16xi32>
    %max3A_26 = arith.maxsi %sub3A_24, %max3A_25 : vector<16xi32>
    %jit3A = arith.constant 0 : i32
    %jit3A_27 = arith.constant 8 : i32
    %broadcast_in_dim3A = vector.broadcast %jit3A : i32 to vector<16xi32>
    %broadcast_in_dim3A_28 = vector.broadcast %jit3A_27 : i32 to vector<16xi32>
    %select_n3A = arith.select %lt3A_16, %broadcast_in_dim3A, %broadcast_in_dim3A_28 : vector<16xi1>, vector<16xi32>
    %add3A_29 = arith.constant 7 : i32
    %add3A_30 = vector.broadcast %add3A_29 : i32 to vector<16xi32>
    %add3A_31 = arith.addi %mul3A_19, %add3A_30 : vector<16xi32>
    %add3A_32 = arith.constant 0 : i32
    %add3A_33 = arith.addi %mul3A_2, %add3A_32 : i32
    "tpu.region"() ({
      %run_scoped3A = tpu.sem_alloc : memref<!tpu.dma_semaphore, #tpu.memory_space<semaphore_mem>>
      %dma_start3A = arith.constant 0 : i32
      %dma_start3A_41 = tpu.memref_slice %arg2[%add3A_33, %dma_start3A] : memref<32768x64xf32, #tpu.memory_space<hbm>> -> memref<512x64xf32, #tpu.memory_space<hbm>>
      %dma_start3A_42 = arith.constant 0 : i32
      %dma_start3A_43 = tpu.memref_slice %arg2[%add3A_33, %dma_start3A_42] : memref<32768x64xf32, #tpu.memory_space<hbm>> -> memref<512x64xf32, #tpu.memory_space<hbm>>
      tpu.enqueue_dma source(%dma_start3A_43 : memref<512x64xf32, #tpu.memory_space<hbm>>) target(%arg5 : memref<512x64xf32, #tpu.memory_space<vmem>>) target_semaphore(%run_scoped3A : memref<!tpu.dma_semaphore, #tpu.memory_space<semaphore_mem>>)
      %dma_wait3A = arith.constant 0 : i32
      %dma_wait3A_44 = tpu.memref_slice %arg2[%add3A_33, %dma_wait3A] : memref<32768x64xf32, #tpu.memory_space<hbm>> -> memref<512x64xf32, #tpu.memory_space<hbm>>
      %dma_wait3A_45 = arith.constant 0 : i32
      %dma_wait3A_46 = tpu.memref_slice %arg2[%add3A_33, %dma_wait3A_45] : memref<32768x64xf32, #tpu.memory_space<hbm>> -> memref<512x64xf32, #tpu.memory_space<hbm>>
      tpu.wait_dma2 semaphore(%run_scoped3A : memref<!tpu.dma_semaphore, #tpu.memory_space<semaphore_mem>>) src(%dma_wait3A_46 : memref<512x64xf32, #tpu.memory_space<hbm>>) dst(%arg5 : memref<512x64xf32, #tpu.memory_space<vmem>>)
      tpu.yield
    }) : () -> ()
    %parallel_loop3A = arith.constant 0 : i32
    %parallel_loop3A_34 = arith.constant 256 : i32
    %parallel_loop3A_35 = arith.constant 1 : i32
    scf.for %parallel_loop3A_41 = %parallel_loop3A to %parallel_loop3A_34 step %parallel_loop3A_35  : i32 {
      %parallel_loop3A_42 = arith.constant 2 : i32
      %parallel_loop3A_43 = arith.muli %parallel_loop3A_42, %parallel_loop3A_41 : i32
      %parallel_loop3A_44 = arith.index_cast %parallel_loop3A_43 : i32 to index
      %parallel_loop3A_45 = arith.constant 0 : index
      %parallel_loop3A_46 = tpu.vector_load %arg5[%parallel_loop3A_44, %parallel_loop3A_45] {strides = array<i32>} : memref<512x64xf32, #tpu.memory_space<vmem>>, vector<16xf32>,
      %parallel_loop3A_47 = arith.constant dense<true> : vector<16xi1>
      %parallel_loop3A_48, %parallel_loop3A_49, %parallel_loop3A_50 = tpu.sort %parallel_loop3A_46, %add3A_5 masked %parallel_loop3A_47 {descending = true} : (vector<16xf32>, vector<16xi32>, vector<16xi1>) -> (vector<16xi1>, vector<16xf32>, vector<16xi32>)
      %parallel_loop3A_51 = arith.index_cast %parallel_loop3A_43 : i32 to index
      %parallel_loop3A_52 = arith.constant 16 : index
      %parallel_loop3A_53 = tpu.vector_load %arg5[%parallel_loop3A_51, %parallel_loop3A_52] {strides = array<i32>} : memref<512x64xf32, #tpu.memory_space<vmem>>, vector<16xf32>,
      %parallel_loop3A_54 = arith.constant dense<true> : vector<16xi1>
      %parallel_loop3A_55, %parallel_loop3A_56, %parallel_loop3A_57 = tpu.sort %parallel_loop3A_53, %add3A_8 masked %parallel_loop3A_54 {descending = true} : (vector<16xf32>, vector<16xi32>, vector<16xi1>) -> (vector<16xi1>, vector<16xf32>, vector<16xi32>)
      %parallel_loop3A_58 = arith.index_cast %parallel_loop3A_43 : i32 to index
      %parallel_loop3A_59 = arith.constant 32 : index
      %parallel_loop3A_60 = tpu.vector_load %arg5[%parallel_loop3A_58, %parallel_loop3A_59] {strides = array<i32>} : memref<512x64xf32, #tpu.memory_space<vmem>>, vector<16xf32>,
      %parallel_loop3A_61 = arith.constant dense<true> : vector<16xi1>
      %parallel_loop3A_62, %parallel_loop3A_63, %parallel_loop3A_64 = tpu.sort %parallel_loop3A_60, %add3A_11 masked %parallel_loop3A_61 {descending = true} : (vector<16xf32>, vector<16xi32>, vector<16xi1>) -> (vector<16xi1>, vector<16xf32>, vector<16xi32>)
      %parallel_loop3A_65 = arith.index_cast %parallel_loop3A_43 : i32 to index
      %parallel_loop3A_66 = arith.constant 48 : index
      %parallel_loop3A_67 = tpu.vector_load %arg5[%parallel_loop3A_65, %parallel_loop3A_66] {strides = array<i32>} : memref<512x64xf32, #tpu.memory_space<vmem>>, vector<16xf32>,
      %parallel_loop3A_68 = arith.constant dense<true> : vector<16xi1>
      %parallel_loop3A_69, %parallel_loop3A_70, %parallel_loop3A_71 = tpu.sort %parallel_loop3A_67, %add3A_14 masked %parallel_loop3A_68 {descending = true} : (vector<16xf32>, vector<16xi32>, vector<16xi1>) -> (vector<16xi1>, vector<16xf32>, vector<16xi32>)
      %parallel_loop3A_72 = arith.constant 15 : i32
      %parallel_loop3A_73 = vector.broadcast %parallel_loop3A_72 : i32 to vector<16xi32>
      %parallel_loop3A_74 = tpu.iota {dimensions = array<i32: 0>} : vector<16xi32>
      %parallel_loop3A_75 = arith.subi %parallel_loop3A_73, %parallel_loop3A_74 : vector<16xi32>
      %parallel_loop3A_76 = tpu.dynamic_gather %parallel_loop3A_56[%parallel_loop3A_75] in [0] : vector<16xf32>, vector<16xi32> -> vector<16xf32>
      %parallel_loop3A_77 = arith.constant 15 : i32
      %parallel_loop3A_78 = vector.broadcast %parallel_loop3A_77 : i32 to vector<16xi32>
      %parallel_loop3A_79 = tpu.iota {dimensions = array<i32: 0>} : vector<16xi32>
      %parallel_loop3A_80 = arith.subi %parallel_loop3A_78, %parallel_loop3A_79 : vector<16xi32>
      %parallel_loop3A_81 = tpu.dynamic_gather %parallel_loop3A_57[%parallel_loop3A_80] in [0] : vector<16xi32>, vector<16xi32> -> vector<16xi32>
      %parallel_loop3A_82 = arith.cmpf oge, %parallel_loop3A_49, %parallel_loop3A_76 : vector<16xf32>
      %parallel_loop3A_83 = arith.select %parallel_loop3A_82, %parallel_loop3A_49, %parallel_loop3A_76 : vector<16xi1>, vector<16xf32>
      %parallel_loop3A_84 = arith.select %parallel_loop3A_82, %parallel_loop3A_50, %parallel_loop3A_81 : vector<16xi1>, vector<16xi32>
      %parallel_loop3A_85 = arith.constant 15 : i32
      %parallel_loop3A_86 = vector.broadcast %parallel_loop3A_85 : i32 to vector<16xi32>
      %parallel_loop3A_87 = tpu.iota {dimensions = array<i32: 0>} : vector<16xi32>
      %parallel_loop3A_88 = arith.subi %parallel_loop3A_86, %parallel_loop3A_87 : vector<16xi32>
      %parallel_loop3A_89 = tpu.dynamic_gather %parallel_loop3A_70[%parallel_loop3A_88] in [0] : vector<16xf32>, vector<16xi32> -> vector<16xf32>
      %parallel_loop3A_90 = arith.constant 15 : i32
      %parallel_loop3A_91 = vector.broadcast %parallel_loop3A_90 : i32 to vector<16xi32>
      %parallel_loop3A_92 = tpu.iota {dimensions = array<i32: 0>} : vector<16xi32>
      %parallel_loop3A_93 = arith.subi %parallel_loop3A_91, %parallel_loop3A_92 : vector<16xi32>
      %parallel_loop3A_94 = tpu.dynamic_gather %parallel_loop3A_71[%parallel_loop3A_93] in [0] : vector<16xi32>, vector<16xi32> -> vector<16xi32>
      %parallel_loop3A_95 = arith.cmpf oge, %parallel_loop3A_63, %parallel_loop3A_89 : vector<16xf32>
      %parallel_loop3A_96 = arith.select %parallel_loop3A_95, %parallel_loop3A_63, %parallel_loop3A_89 : vector<16xi1>, vector<16xf32>
      %parallel_loop3A_97 = arith.select %parallel_loop3A_95, %parallel_loop3A_64, %parallel_loop3A_94 : vector<16xi1>, vector<16xi32>
      %parallel_loop3A_98 = arith.constant dense<true> : vector<16xi1>
      %parallel_loop3A_99, %parallel_loop3A_100, %parallel_loop3A_101 = tpu.sort %parallel_loop3A_83, %parallel_loop3A_84 masked %parallel_loop3A_98 {descending = true} : (vector<16xf32>, vector<16xi32>, vector<16xi1>) -> (vector<16xi1>, vector<16xf32>, vector<16xi32>)
      %parallel_loop3A_102 = arith.constant dense<true> : vector<16xi1>
      %parallel_loop3A_103, %parallel_loop3A_104, %parallel_loop3A_105 = tpu.sort %parallel_loop3A_96, %parallel_loop3A_97 masked %parallel_loop3A_102 {descending = true} : (vector<16xf32>, vector<16xi32>, vector<16xi1>) -> (vector<16xi1>, vector<16xf32>, vector<16xi32>)
      %parallel_loop3A_106 = arith.constant 15 : i32
      %parallel_loop3A_107 = vector.broadcast %parallel_loop3A_106 : i32 to vector<16xi32>
      %parallel_loop3A_108 = tpu.iota {dimensions = array<i32: 0>} : vector<16xi32>
      %parallel_loop3A_109 = arith.subi %parallel_loop3A_107, %parallel_loop3A_108 : vector<16xi32>
      %parallel_loop3A_110 = tpu.dynamic_gather %parallel_loop3A_104[%parallel_loop3A_109] in [0] : vector<16xf32>, vector<16xi32> -> vector<16xf32>
      %parallel_loop3A_111 = arith.constant 15 : i32
      %parallel_loop3A_112 = vector.broadcast %parallel_loop3A_111 : i32 to vector<16xi32>
      %parallel_loop3A_113 = tpu.iota {dimensions = array<i32: 0>} : vector<16xi32>
      %parallel_loop3A_114 = arith.subi %parallel_loop3A_112, %parallel_loop3A_113 : vector<16xi32>
      %parallel_loop3A_115 = tpu.dynamic_gather %parallel_loop3A_105[%parallel_loop3A_114] in [0] : vector<16xi32>, vector<16xi32> -> vector<16xi32>
      %parallel_loop3A_116 = arith.cmpf oge, %parallel_loop3A_100, %parallel_loop3A_110 : vector<16xf32>
      %parallel_loop3A_117 = arith.select %parallel_loop3A_116, %parallel_loop3A_100, %parallel_loop3A_110 : vector<16xi1>, vector<16xf32>
      %parallel_loop3A_118 = arith.select %parallel_loop3A_116, %parallel_loop3A_101, %parallel_loop3A_115 : vector<16xi1>, vector<16xi32>
      %parallel_loop3A_119 = arith.constant dense<true> : vector<16xi1>
      %parallel_loop3A_120, %parallel_loop3A_121, %parallel_loop3A_122 = tpu.sort %parallel_loop3A_117, %parallel_loop3A_118 masked %parallel_loop3A_119 {descending = true} : (vector<16xf32>, vector<16xi32>, vector<16xi1>) -> (vector<16xi1>, vector<16xf32>, vector<16xi32>)
      %parallel_loop3A_123 = arith.constant 1 : i32
      %parallel_loop3A_124 = arith.addi %parallel_loop3A_43, %parallel_loop3A_123 : i32
      %parallel_loop3A_125 = arith.index_cast %parallel_loop3A_124 : i32 to index
      %parallel_loop3A_126 = arith.constant 0 : index
      %parallel_loop3A_127 = tpu.vector_load %arg5[%parallel_loop3A_125, %parallel_loop3A_126] {strides = array<i32>} : memref<512x64xf32, #tpu.memory_space<vmem>>, vector<16xf32>,
      %parallel_loop3A_128 = arith.constant dense<true> : vector<16xi1>
      %parallel_loop3A_129, %parallel_loop3A_130, %parallel_loop3A_131 = tpu.sort %parallel_loop3A_127, %add3A_5 masked %parallel_loop3A_128 {descending = true} : (vector<16xf32>, vector<16xi32>, vector<16xi1>) -> (vector<16xi1>, vector<16xf32>, vector<16xi32>)
      %parallel_loop3A_132 = arith.index_cast %parallel_loop3A_124 : i32 to index
      %parallel_loop3A_133 = arith.constant 16 : index
      %parallel_loop3A_134 = tpu.vector_load %arg5[%parallel_loop3A_132, %parallel_loop3A_133] {strides = array<i32>} : memref<512x64xf32, #tpu.memory_space<vmem>>, vector<16xf32>,
      %parallel_loop3A_135 = arith.constant dense<true> : vector<16xi1>
      %parallel_loop3A_136, %parallel_loop3A_137, %parallel_loop3A_138 = tpu.sort %parallel_loop3A_134, %add3A_8 masked %parallel_loop3A_135 {descending = true} : (vector<16xf32>, vector<16xi32>, vector<16xi1>) -> (vector<16xi1>, vector<16xf32>, vector<16xi32>)
      %parallel_loop3A_139 = arith.index_cast %parallel_loop3A_124 : i32 to index
      %parallel_loop3A_140 = arith.constant 32 : index
      %parallel_loop3A_141 = tpu.vector_load %arg5[%parallel_loop3A_139, %parallel_loop3A_140] {strides = array<i32>} : memref<512x64xf32, #tpu.memory_space<vmem>>, vector<16xf32>,
      %parallel_loop3A_142 = arith.constant dense<true> : vector<16xi1>
      %parallel_loop3A_143, %parallel_loop3A_144, %parallel_loop3A_145 = tpu.sort %parallel_loop3A_141, %add3A_11 masked %parallel_loop3A_142 {descending = true} : (vector<16xf32>, vector<16xi32>, vector<16xi1>) -> (vector<16xi1>, vector<16xf32>, vector<16xi32>)
      %parallel_loop3A_146 = arith.index_cast %parallel_loop3A_124 : i32 to index
      %parallel_loop3A_147 = arith.constant 48 : index
      %parallel_loop3A_148 = tpu.vector_load %arg5[%parallel_loop3A_146, %parallel_loop3A_147] {strides = array<i32>} : memref<512x64xf32, #tpu.memory_space<vmem>>, vector<16xf32>,
      %parallel_loop3A_149 = arith.constant dense<true> : vector<16xi1>
      %parallel_loop3A_150, %parallel_loop3A_151, %parallel_loop3A_152 = tpu.sort %parallel_loop3A_148, %add3A_14 masked %parallel_loop3A_149 {descending = true} : (vector<16xf32>, vector<16xi32>, vector<16xi1>) -> (vector<16xi1>, vector<16xf32>, vector<16xi32>)
      %parallel_loop3A_153 = arith.constant 15 : i32
      %parallel_loop3A_154 = vector.broadcast %parallel_loop3A_153 : i32 to vector<16xi32>
      %parallel_loop3A_155 = tpu.iota {dimensions = array<i32: 0>} : vector<16xi32>
      %parallel_loop3A_156 = arith.subi %parallel_loop3A_154, %parallel_loop3A_155 : vector<16xi32>
      %parallel_loop3A_157 = tpu.dynamic_gather %parallel_loop3A_137[%parallel_loop3A_156] in [0] : vector<16xf32>, vector<16xi32> -> vector<16xf32>
      %parallel_loop3A_158 = arith.constant 15 : i32
      %parallel_loop3A_159 = vector.broadcast %parallel_loop3A_158 : i32 to vector<16xi32>
      %parallel_loop3A_160 = tpu.iota {dimensions = array<i32: 0>} : vector<16xi32>
      %parallel_loop3A_161 = arith.subi %parallel_loop3A_159, %parallel_loop3A_160 : vector<16xi32>
      %parallel_loop3A_162 = tpu.dynamic_gather %parallel_loop3A_138[%parallel_loop3A_161] in [0] : vector<16xi32>, vector<16xi32> -> vector<16xi32>
      %parallel_loop3A_163 = arith.cmpf oge, %parallel_loop3A_130, %parallel_loop3A_157 : vector<16xf32>
      %parallel_loop3A_164 = arith.select %parallel_loop3A_163, %parallel_loop3A_130, %parallel_loop3A_157 : vector<16xi1>, vector<16xf32>
      %parallel_loop3A_165 = arith.select %parallel_loop3A_163, %parallel_loop3A_131, %parallel_loop3A_162 : vector<16xi1>, vector<16xi32>
      %parallel_loop3A_166 = arith.constant 15 : i32
      %parallel_loop3A_167 = vector.broadcast %parallel_loop3A_166 : i32 to vector<16xi32>
      %parallel_loop3A_168 = tpu.iota {dimensions = array<i32: 0>} : vector<16xi32>
      %parallel_loop3A_169 = arith.subi %parallel_loop3A_167, %parallel_loop3A_168 : vector<16xi32>
      %parallel_loop3A_170 = tpu.dynamic_gather %parallel_loop3A_151[%parallel_loop3A_169] in [0] : vector<16xf32>, vector<16xi32> -> vector<16xf32>
      %parallel_loop3A_171 = arith.constant 15 : i32
      %parallel_loop3A_172 = vector.broadcast %parallel_loop3A_171 : i32 to vector<16xi32>
      %parallel_loop3A_173 = tpu.iota {dimensions = array<i32: 0>} : vector<16xi32>
      %parallel_loop3A_174 = arith.subi %parallel_loop3A_172, %parallel_loop3A_173 : vector<16xi32>
      %parallel_loop3A_175 = tpu.dynamic_gather %parallel_loop3A_152[%parallel_loop3A_174] in [0] : vector<16xi32>, vector<16xi32> -> vector<16xi32>
      %parallel_loop3A_176 = arith.cmpf oge, %parallel_loop3A_144, %parallel_loop3A_170 : vector<16xf32>
      %parallel_loop3A_177 = arith.select %parallel_loop3A_176, %parallel_loop3A_144, %parallel_loop3A_170 : vector<16xi1>, vector<16xf32>
      %parallel_loop3A_178 = arith.select %parallel_loop3A_176, %parallel_loop3A_145, %parallel_loop3A_175 : vector<16xi1>, vector<16xi32>
      %parallel_loop3A_179 = arith.constant dense<true> : vector<16xi1>
      %parallel_loop3A_180, %parallel_loop3A_181, %parallel_loop3A_182 = tpu.sort %parallel_loop3A_164, %parallel_loop3A_165 masked %parallel_loop3A_179 {descending = true} : (vector<16xf32>, vector<16xi32>, vector<16xi1>) -> (vector<16xi1>, vector<16xf32>, vector<16xi32>)
      %parallel_loop3A_183 = arith.constant dense<true> : vector<16xi1>
      %parallel_loop3A_184, %parallel_loop3A_185, %parallel_loop3A_186 = tpu.sort %parallel_loop3A_177, %parallel_loop3A_178 masked %parallel_loop3A_183 {descending = true} : (vector<16xf32>, vector<16xi32>, vector<16xi1>) -> (vector<16xi1>, vector<16xf32>, vector<16xi32>)
      %parallel_loop3A_187 = arith.constant 15 : i32
      %parallel_loop3A_188 = vector.broadcast %parallel_loop3A_187 : i32 to vector<16xi32>
      %parallel_loop3A_189 = tpu.iota {dimensions = array<i32: 0>} : vector<16xi32>
      %parallel_loop3A_190 = arith.subi %parallel_loop3A_188, %parallel_loop3A_189 : vector<16xi32>
      %parallel_loop3A_191 = tpu.dynamic_gather %parallel_loop3A_185[%parallel_loop3A_190] in [0] : vector<16xf32>, vector<16xi32> -> vector<16xf32>
      %parallel_loop3A_192 = arith.constant 15 : i32
      %parallel_loop3A_193 = vector.broadcast %parallel_loop3A_192 : i32 to vector<16xi32>
      %parallel_loop3A_194 = tpu.iota {dimensions = array<i32: 0>} : vector<16xi32>
      %parallel_loop3A_195 = arith.subi %parallel_loop3A_193, %parallel_loop3A_194 : vector<16xi32>
      %parallel_loop3A_196 = tpu.dynamic_gather %parallel_loop3A_186[%parallel_loop3A_195] in [0] : vector<16xi32>, vector<16xi32> -> vector<16xi32>
      %parallel_loop3A_197 = arith.cmpf oge, %parallel_loop3A_181, %parallel_loop3A_191 : vector<16xf32>
      %parallel_loop3A_198 = arith.select %parallel_loop3A_197, %parallel_loop3A_181, %parallel_loop3A_191 : vector<16xi1>, vector<16xf32>
      %parallel_loop3A_199 = arith.select %parallel_loop3A_197, %parallel_loop3A_182, %parallel_loop3A_196 : vector<16xi1>, vector<16xi32>
      %parallel_loop3A_200 = arith.constant dense<true> : vector<16xi1>
      %parallel_loop3A_201, %parallel_loop3A_202, %parallel_loop3A_203 = tpu.sort %parallel_loop3A_198, %parallel_loop3A_199 masked %parallel_loop3A_200 {descending = true} : (vector<16xf32>, vector<16xi32>, vector<16xi1>) -> (vector<16xi1>, vector<16xf32>, vector<16xi32>)
      %parallel_loop3A_204 = vector.shape_cast %max3A_26 : vector<16xi32> to vector<16x1xi32>
      %parallel_loop3A_205 = vector.shape_cast %parallel_loop3A_204 : vector<16x1xi32> to vector<16xi32>
      %parallel_loop3A_206 = tpu.dynamic_gather %parallel_loop3A_202[%parallel_loop3A_205] in [0] : vector<16xf32>, vector<16xi32> -> vector<16xf32>
      %parallel_loop3A_207 = arith.select %lt3A_16, %parallel_loop3A_121, %parallel_loop3A_206 : vector<16xi1>, vector<16xf32>
      %parallel_loop3A_208 = vector.shape_cast %max3A_26 : vector<16xi32> to vector<16x1xi32>
      %parallel_loop3A_209 = vector.shape_cast %parallel_loop3A_208 : vector<16x1xi32> to vector<16xi32>
      %parallel_loop3A_210 = tpu.dynamic_gather %parallel_loop3A_203[%parallel_loop3A_209] in [0] : vector<16xi32>, vector<16xi32> -> vector<16xi32>
      %parallel_loop3A_211 = arith.select %lt3A_16, %parallel_loop3A_122, %parallel_loop3A_210 : vector<16xi1>, vector<16xi32>
      %parallel_loop3A_212 = vector.shape_cast %select_n3A : vector<16xi32> to vector<16x1xi32>
      %parallel_loop3A_213 = vector.shape_cast %parallel_loop3A_212 : vector<16x1xi32> to vector<16xi32>
      %parallel_loop3A_214 = tpu.dynamic_gather %parallel_loop3A_207[%parallel_loop3A_213] in [0] : vector<16xf32>, vector<16xi32> -> vector<16xf32>
      %parallel_loop3A_215 = arith.subf %parallel_loop3A_207, %parallel_loop3A_214 : vector<16xf32>
      %parallel_loop3A_216 = math.exp %parallel_loop3A_215 : vector<16xf32>
      %parallel_loop3A_217 = arith.constant true
      %parallel_loop3A_218 = vector.broadcast %parallel_loop3A_217 : i1 to vector<16xi1>
      %parallel_loop3A_219 = tpu.scan <sum>, %parallel_loop3A_216 masked %parallel_loop3A_218 : vector<16xf32>, vector<16xi1> -> vector<16xf32>
      %parallel_loop3A_220 = vector.shape_cast %add3A_31 : vector<16xi32> to vector<16x1xi32>
      %parallel_loop3A_221 = vector.shape_cast %parallel_loop3A_220 : vector<16x1xi32> to vector<16xi32>
      %parallel_loop3A_222 = tpu.dynamic_gather %parallel_loop3A_219[%parallel_loop3A_221] in [0] : vector<16xf32>, vector<16xi32> -> vector<16xf32>
      %parallel_loop3A_223 = vector.shape_cast %add3A_22 : vector<16xi32> to vector<16x1xi32>
      %parallel_loop3A_224 = vector.shape_cast %parallel_loop3A_223 : vector<16x1xi32> to vector<16xi32>
      %parallel_loop3A_225 = tpu.dynamic_gather %parallel_loop3A_219[%parallel_loop3A_224] in [0] : vector<16xf32>, vector<16xi32> -> vector<16xf32>
      %parallel_loop3A_226 = arith.subf %parallel_loop3A_225, %parallel_loop3A_222 : vector<16xf32>
      %parallel_loop3A_227 = arith.select %lt3A_16, %parallel_loop3A_222, %parallel_loop3A_226 : vector<16xi1>, vector<16xf32>
      %parallel_loop3A_228 = arith.constant 0 : i32
      %parallel_loop3A_229 = arith.addi %parallel_loop3A_228, %parallel_loop3A_41 : i32
      %parallel_loop3A_230 = arith.constant 8 : i32
      %parallel_loop3A_231 = arith.constant 0 : i32
      %parallel_loop3A_232 = arith.cmpi eq, %parallel_loop3A_230, %parallel_loop3A_231 : i32
      %parallel_loop3A_233 = arith.constant 1 : i32
      %parallel_loop3A_234 = arith.select %parallel_loop3A_232, %parallel_loop3A_233, %parallel_loop3A_230 : i32
      %parallel_loop3A_235 = vector.broadcast %parallel_loop3A_234 : i32 to vector<16xi32>
      %parallel_loop3A_236 = arith.remsi %iota3A, %parallel_loop3A_235 : vector<16xi32>
      %parallel_loop3A_237 = arith.constant 0 : i32
      %parallel_loop3A_238 = vector.broadcast %parallel_loop3A_237 : i32 to vector<16xi32>
      %parallel_loop3A_239 = arith.cmpi ne, %parallel_loop3A_236, %parallel_loop3A_238 : vector<16xi32>
      %parallel_loop3A_240 = arith.constant 0 : i32
      %parallel_loop3A_241 = vector.broadcast %parallel_loop3A_240 : i32 to vector<16xi32>
      %parallel_loop3A_242 = arith.cmpi slt, %parallel_loop3A_236, %parallel_loop3A_241 : vector<16xi32>
      %parallel_loop3A_243 = arith.constant 0 : i32
      %parallel_loop3A_244 = arith.cmpi slt, %parallel_loop3A_234, %parallel_loop3A_243 : i32
      %parallel_loop3A_245 = vector.broadcast %parallel_loop3A_244 : i1 to vector<16xi1>
      %parallel_loop3A_246 = vector.broadcast %parallel_loop3A_245 : vector<16xi1> to vector<16xi1>
      %parallel_loop3A_247 = arith.xori %parallel_loop3A_242, %parallel_loop3A_246 : vector<16xi1>
      %parallel_loop3A_248 = arith.andi %parallel_loop3A_247, %parallel_loop3A_239 : vector<16xi1>
      %parallel_loop3A_249 = vector.broadcast %parallel_loop3A_234 : i32 to vector<16xi32>
      %parallel_loop3A_250 = arith.addi %parallel_loop3A_236, %parallel_loop3A_249 : vector<16xi32>
      %parallel_loop3A_251 = arith.select %parallel_loop3A_248, %parallel_loop3A_250, %parallel_loop3A_236 : vector<16xi1>, vector<16xi32>
      %parallel_loop3A_252 = arith.constant 2 : i32
      %parallel_loop3A_253 = arith.muli %parallel_loop3A_252, %parallel_loop3A_229 : i32
      %parallel_loop3A_254 = arith.constant 2 : i32
      %parallel_loop3A_255 = arith.muli %parallel_loop3A_254, %parallel_loop3A_229 : i32
      %parallel_loop3A_256 = arith.constant 1 : i32
      %parallel_loop3A_257 = arith.addi %parallel_loop3A_255, %parallel_loop3A_256 : i32
      %parallel_loop3A_258 = vector.broadcast %parallel_loop3A_253 : i32 to vector<16xi32>
      %parallel_loop3A_259 = vector.broadcast %parallel_loop3A_257 : i32 to vector<16xi32>
      %parallel_loop3A_260 = arith.select %lt3A_16, %parallel_loop3A_258, %parallel_loop3A_259 : vector<16xi1>, vector<16xi32>
      %parallel_loop3A_261 = arith.divf %parallel_loop3A_216, %parallel_loop3A_227 : vector<16xf32>
      tpu.vector_store_idx %arg6[%parallel_loop3A_251, %parallel_loop3A_260], %parallel_loop3A_261 : memref<8x1024xf32, #tpu.memory_space<vmem>>[vector<16xi32>, vector<16xi32>], vector<16xf32>,
      tpu.vector_store_idx %arg7[%parallel_loop3A_251, %parallel_loop3A_260], %parallel_loop3A_211 : memref<8x1024xi32, #tpu.memory_space<vmem>>[vector<16xi32>, vector<16xi32>], vector<16xi32>,
    } {sc.loop_unroll_factor = 2 : i64, sc.parallel_access}
    %add3A_36 = arith.constant 512 : i32
    %add3A_37 = arith.addi %mul3A_2, %add3A_36 : i32
    "tpu.region"() ({
      %run_scoped3A = tpu.sem_alloc : memref<!tpu.dma_semaphore, #tpu.memory_space<semaphore_mem>>
      %dma_start3A = arith.constant 0 : i32
      %dma_start3A_41 = tpu.memref_slice %arg2[%add3A_37, %dma_start3A] : memref<32768x64xf32, #tpu.memory_space<hbm>> -> memref<512x64xf32, #tpu.memory_space<hbm>>
      %dma_start3A_42 = arith.constant 0 : i32
      %dma_start3A_43 = tpu.memref_slice %arg2[%add3A_37, %dma_start3A_42] : memref<32768x64xf32, #tpu.memory_space<hbm>> -> memref<512x64xf32, #tpu.memory_space<hbm>>
      tpu.enqueue_dma source(%dma_start3A_43 : memref<512x64xf32, #tpu.memory_space<hbm>>) target(%arg5 : memref<512x64xf32, #tpu.memory_space<vmem>>) target_semaphore(%run_scoped3A : memref<!tpu.dma_semaphore, #tpu.memory_space<semaphore_mem>>)
      %dma_wait3A = arith.constant 0 : i32
      %dma_wait3A_44 = tpu.memref_slice %arg2[%add3A_37, %dma_wait3A] : memref<32768x64xf32, #tpu.memory_space<hbm>> -> memref<512x64xf32, #tpu.memory_space<hbm>>
      %dma_wait3A_45 = arith.constant 0 : i32
      %dma_wait3A_46 = tpu.memref_slice %arg2[%add3A_37, %dma_wait3A_45] : memref<32768x64xf32, #tpu.memory_space<hbm>> -> memref<512x64xf32, #tpu.memory_space<hbm>>
      tpu.wait_dma2 semaphore(%run_scoped3A : memref<!tpu.dma_semaphore, #tpu.memory_space<semaphore_mem>>) src(%dma_wait3A_46 : memref<512x64xf32, #tpu.memory_space<hbm>>) dst(%arg5 : memref<512x64xf32, #tpu.memory_space<vmem>>)
      tpu.yield
    }) : () -> ()
    %parallel_loop3A_38 = arith.constant 0 : i32
    %parallel_loop3A_39 = arith.constant 256 : i32
    %parallel_loop3A_40 = arith.constant 1 : i32
    scf.for %parallel_loop3A_41 = %parallel_loop3A_38 to %parallel_loop3A_39 step %parallel_loop3A_40  : i32 {
      %parallel_loop3A_42 = arith.constant 2 : i32
      %parallel_loop3A_43 = arith.muli %parallel_loop3A_42, %parallel_loop3A_41 : i32
      %parallel_loop3A_44 = arith.index_cast %parallel_loop3A_43 : i32 to index
      %parallel_loop3A_45 = arith.constant 0 : index
      %parallel_loop3A_46 = tpu.vector_load %arg5[%parallel_loop3A_44, %parallel_loop3A_45] {strides = array<i32>} : memref<512x64xf32, #tpu.memory_space<vmem>>, vector<16xf32>,
      %parallel_loop3A_47 = arith.constant dense<true> : vector<16xi1>
      %parallel_loop3A_48, %parallel_loop3A_49, %parallel_loop3A_50 = tpu.sort %parallel_loop3A_46, %add3A_5 masked %parallel_loop3A_47 {descending = true} : (vector<16xf32>, vector<16xi32>, vector<16xi1>) -> (vector<16xi1>, vector<16xf32>, vector<16xi32>)
      %parallel_loop3A_51 = arith.index_cast %parallel_loop3A_43 : i32 to index
      %parallel_loop3A_52 = arith.constant 16 : index
      %parallel_loop3A_53 = tpu.vector_load %arg5[%parallel_loop3A_51, %parallel_loop3A_52] {strides = array<i32>} : memref<512x64xf32, #tpu.memory_space<vmem>>, vector<16xf32>,
      %parallel_loop3A_54 = arith.constant dense<true> : vector<16xi1>
      %parallel_loop3A_55, %parallel_loop3A_56, %parallel_loop3A_57 = tpu.sort %parallel_loop3A_53, %add3A_8 masked %parallel_loop3A_54 {descending = true} : (vector<16xf32>, vector<16xi32>, vector<16xi1>) -> (vector<16xi1>, vector<16xf32>, vector<16xi32>)
      %parallel_loop3A_58 = arith.index_cast %parallel_loop3A_43 : i32 to index
      %parallel_loop3A_59 = arith.constant 32 : index
      %parallel_loop3A_60 = tpu.vector_load %arg5[%parallel_loop3A_58, %parallel_loop3A_59] {strides = array<i32>} : memref<512x64xf32, #tpu.memory_space<vmem>>, vector<16xf32>,
      %parallel_loop3A_61 = arith.constant dense<true> : vector<16xi1>
      %parallel_loop3A_62, %parallel_loop3A_63, %parallel_loop3A_64 = tpu.sort %parallel_loop3A_60, %add3A_11 masked %parallel_loop3A_61 {descending = true} : (vector<16xf32>, vector<16xi32>, vector<16xi1>) -> (vector<16xi1>, vector<16xf32>, vector<16xi32>)
      %parallel_loop3A_65 = arith.index_cast %parallel_loop3A_43 : i32 to index
      %parallel_loop3A_66 = arith.constant 48 : index
      %parallel_loop3A_67 = tpu.vector_load %arg5[%parallel_loop3A_65, %parallel_loop3A_66] {strides = array<i32>} : memref<512x64xf32, #tpu.memory_space<vmem>>, vector<16xf32>,
      %parallel_loop3A_68 = arith.constant dense<true> : vector<16xi1>
      %parallel_loop3A_69, %parallel_loop3A_70, %parallel_loop3A_71 = tpu.sort %parallel_loop3A_67, %add3A_14 masked %parallel_loop3A_68 {descending = true} : (vector<16xf32>, vector<16xi32>, vector<16xi1>) -> (vector<16xi1>, vector<16xf32>, vector<16xi32>)
      %parallel_loop3A_72 = arith.constant 15 : i32
      %parallel_loop3A_73 = vector.broadcast %parallel_loop3A_72 : i32 to vector<16xi32>
      %parallel_loop3A_74 = tpu.iota {dimensions = array<i32: 0>} : vector<16xi32>
      %parallel_loop3A_75 = arith.subi %parallel_loop3A_73, %parallel_loop3A_74 : vector<16xi32>
      %parallel_loop3A_76 = tpu.dynamic_gather %parallel_loop3A_56[%parallel_loop3A_75] in [0] : vector<16xf32>, vector<16xi32> -> vector<16xf32>
      %parallel_loop3A_77 = arith.constant 15 : i32
      %parallel_loop3A_78 = vector.broadcast %parallel_loop3A_77 : i32 to vector<16xi32>
      %parallel_loop3A_79 = tpu.iota {dimensions = array<i32: 0>} : vector<16xi32>
      %parallel_loop3A_80 = arith.subi %parallel_loop3A_78, %parallel_loop3A_79 : vector<16xi32>
      %parallel_loop3A_81 = tpu.dynamic_gather %parallel_loop3A_57[%parallel_loop3A_80] in [0] : vector<16xi32>, vector<16xi32> -> vector<16xi32>
      %parallel_loop3A_82 = arith.cmpf oge, %parallel_loop3A_49, %parallel_loop3A_76 : vector<16xf32>
      %parallel_loop3A_83 = arith.select %parallel_loop3A_82, %parallel_loop3A_49, %parallel_loop3A_76 : vector<16xi1>, vector<16xf32>
      %parallel_loop3A_84 = arith.select %parallel_loop3A_82, %parallel_loop3A_50, %parallel_loop3A_81 : vector<16xi1>, vector<16xi32>
      %parallel_loop3A_85 = arith.constant 15 : i32
      %parallel_loop3A_86 = vector.broadcast %parallel_loop3A_85 : i32 to vector<16xi32>
      %parallel_loop3A_87 = tpu.iota {dimensions = array<i32: 0>} : vector<16xi32>
      %parallel_loop3A_88 = arith.subi %parallel_loop3A_86, %parallel_loop3A_87 : vector<16xi32>
      %parallel_loop3A_89 = tpu.dynamic_gather %parallel_loop3A_70[%parallel_loop3A_88] in [0] : vector<16xf32>, vector<16xi32> -> vector<16xf32>
      %parallel_loop3A_90 = arith.constant 15 : i32
      %parallel_loop3A_91 = vector.broadcast %parallel_loop3A_90 : i32 to vector<16xi32>
      %parallel_loop3A_92 = tpu.iota {dimensions = array<i32: 0>} : vector<16xi32>
      %parallel_loop3A_93 = arith.subi %parallel_loop3A_91, %parallel_loop3A_92 : vector<16xi32>
      %parallel_loop3A_94 = tpu.dynamic_gather %parallel_loop3A_71[%parallel_loop3A_93] in [0] : vector<16xi32>, vector<16xi32> -> vector<16xi32>
      %parallel_loop3A_95 = arith.cmpf oge, %parallel_loop3A_63, %parallel_loop3A_89 : vector<16xf32>
      %parallel_loop3A_96 = arith.select %parallel_loop3A_95, %parallel_loop3A_63, %parallel_loop3A_89 : vector<16xi1>, vector<16xf32>
      %parallel_loop3A_97 = arith.select %parallel_loop3A_95, %parallel_loop3A_64, %parallel_loop3A_94 : vector<16xi1>, vector<16xi32>
      %parallel_loop3A_98 = arith.constant dense<true> : vector<16xi1>
      %parallel_loop3A_99, %parallel_loop3A_100, %parallel_loop3A_101 = tpu.sort %parallel_loop3A_83, %parallel_loop3A_84 masked %parallel_loop3A_98 {descending = true} : (vector<16xf32>, vector<16xi32>, vector<16xi1>) -> (vector<16xi1>, vector<16xf32>, vector<16xi32>)
      %parallel_loop3A_102 = arith.constant dense<true> : vector<16xi1>
      %parallel_loop3A_103, %parallel_loop3A_104, %parallel_loop3A_105 = tpu.sort %parallel_loop3A_96, %parallel_loop3A_97 masked %parallel_loop3A_102 {descending = true} : (vector<16xf32>, vector<16xi32>, vector<16xi1>) -> (vector<16xi1>, vector<16xf32>, vector<16xi32>)
      %parallel_loop3A_106 = arith.constant 15 : i32
      %parallel_loop3A_107 = vector.broadcast %parallel_loop3A_106 : i32 to vector<16xi32>
      %parallel_loop3A_108 = tpu.iota {dimensions = array<i32: 0>} : vector<16xi32>
      %parallel_loop3A_109 = arith.subi %parallel_loop3A_107, %parallel_loop3A_108 : vector<16xi32>
      %parallel_loop3A_110 = tpu.dynamic_gather %parallel_loop3A_104[%parallel_loop3A_109] in [0] : vector<16xf32>, vector<16xi32> -> vector<16xf32>
      %parallel_loop3A_111 = arith.constant 15 : i32
      %parallel_loop3A_112 = vector.broadcast %parallel_loop3A_111 : i32 to vector<16xi32>
      %parallel_loop3A_113 = tpu.iota {dimensions = array<i32: 0>} : vector<16xi32>
      %parallel_loop3A_114 = arith.subi %parallel_loop3A_112, %parallel_loop3A_113 : vector<16xi32>
      %parallel_loop3A_115 = tpu.dynamic_gather %parallel_loop3A_105[%parallel_loop3A_114] in [0] : vector<16xi32>, vector<16xi32> -> vector<16xi32>
      %parallel_loop3A_116 = arith.cmpf oge, %parallel_loop3A_100, %parallel_loop3A_110 : vector<16xf32>
      %parallel_loop3A_117 = arith.select %parallel_loop3A_116, %parallel_loop3A_100, %parallel_loop3A_110 : vector<16xi1>, vector<16xf32>
      %parallel_loop3A_118 = arith.select %parallel_loop3A_116, %parallel_loop3A_101, %parallel_loop3A_115 : vector<16xi1>, vector<16xi32>
      %parallel_loop3A_119 = arith.constant dense<true> : vector<16xi1>
      %parallel_loop3A_120, %parallel_loop3A_121, %parallel_loop3A_122 = tpu.sort %parallel_loop3A_117, %parallel_loop3A_118 masked %parallel_loop3A_119 {descending = true} : (vector<16xf32>, vector<16xi32>, vector<16xi1>) -> (vector<16xi1>, vector<16xf32>, vector<16xi32>)
      %parallel_loop3A_123 = arith.constant 1 : i32
      %parallel_loop3A_124 = arith.addi %parallel_loop3A_43, %parallel_loop3A_123 : i32
      %parallel_loop3A_125 = arith.index_cast %parallel_loop3A_124 : i32 to index
      %parallel_loop3A_126 = arith.constant 0 : index
      %parallel_loop3A_127 = tpu.vector_load %arg5[%parallel_loop3A_125, %parallel_loop3A_126] {strides = array<i32>} : memref<512x64xf32, #tpu.memory_space<vmem>>, vector<16xf32>,
      %parallel_loop3A_128 = arith.constant dense<true> : vector<16xi1>
      %parallel_loop3A_129, %parallel_loop3A_130, %parallel_loop3A_131 = tpu.sort %parallel_loop3A_127, %add3A_5 masked %parallel_loop3A_128 {descending = true} : (vector<16xf32>, vector<16xi32>, vector<16xi1>) -> (vector<16xi1>, vector<16xf32>, vector<16xi32>)
      %parallel_loop3A_132 = arith.index_cast %parallel_loop3A_124 : i32 to index
      %parallel_loop3A_133 = arith.constant 16 : index
      %parallel_loop3A_134 = tpu.vector_load %arg5[%parallel_loop3A_132, %parallel_loop3A_133] {strides = array<i32>} : memref<512x64xf32, #tpu.memory_space<vmem>>, vector<16xf32>,
      %parallel_loop3A_135 = arith.constant dense<true> : vector<16xi1>
      %parallel_loop3A_136, %parallel_loop3A_137, %parallel_loop3A_138 = tpu.sort %parallel_loop3A_134, %add3A_8 masked %parallel_loop3A_135 {descending = true} : (vector<16xf32>, vector<16xi32>, vector<16xi1>) -> (vector<16xi1>, vector<16xf32>, vector<16xi32>)
      %parallel_loop3A_139 = arith.index_cast %parallel_loop3A_124 : i32 to index
      %parallel_loop3A_140 = arith.constant 32 : index
      %parallel_loop3A_141 = tpu.vector_load %arg5[%parallel_loop3A_139, %parallel_loop3A_140] {strides = array<i32>} : memref<512x64xf32, #tpu.memory_space<vmem>>, vector<16xf32>,
      %parallel_loop3A_142 = arith.constant dense<true> : vector<16xi1>
      %parallel_loop3A_143, %parallel_loop3A_144, %parallel_loop3A_145 = tpu.sort %parallel_loop3A_141, %add3A_11 masked %parallel_loop3A_142 {descending = true} : (vector<16xf32>, vector<16xi32>, vector<16xi1>) -> (vector<16xi1>, vector<16xf32>, vector<16xi32>)
      %parallel_loop3A_146 = arith.index_cast %parallel_loop3A_124 : i32 to index
      %parallel_loop3A_147 = arith.constant 48 : index
      %parallel_loop3A_148 = tpu.vector_load %arg5[%parallel_loop3A_146, %parallel_loop3A_147] {strides = array<i32>} : memref<512x64xf32, #tpu.memory_space<vmem>>, vector<16xf32>,
      %parallel_loop3A_149 = arith.constant dense<true> : vector<16xi1>
      %parallel_loop3A_150, %parallel_loop3A_151, %parallel_loop3A_152 = tpu.sort %parallel_loop3A_148, %add3A_14 masked %parallel_loop3A_149 {descending = true} : (vector<16xf32>, vector<16xi32>, vector<16xi1>) -> (vector<16xi1>, vector<16xf32>, vector<16xi32>)
      %parallel_loop3A_153 = arith.constant 15 : i32
      %parallel_loop3A_154 = vector.broadcast %parallel_loop3A_153 : i32 to vector<16xi32>
      %parallel_loop3A_155 = tpu.iota {dimensions = array<i32: 0>} : vector<16xi32>
      %parallel_loop3A_156 = arith.subi %parallel_loop3A_154, %parallel_loop3A_155 : vector<16xi32>
      %parallel_loop3A_157 = tpu.dynamic_gather %parallel_loop3A_137[%parallel_loop3A_156] in [0] : vector<16xf32>, vector<16xi32> -> vector<16xf32>
      %parallel_loop3A_158 = arith.constant 15 : i32
      %parallel_loop3A_159 = vector.broadcast %parallel_loop3A_158 : i32 to vector<16xi32>
      %parallel_loop3A_160 = tpu.iota {dimensions = array<i32: 0>} : vector<16xi32>
      %parallel_loop3A_161 = arith.subi %parallel_loop3A_159, %parallel_loop3A_160 : vector<16xi32>
      %parallel_loop3A_162 = tpu.dynamic_gather %parallel_loop3A_138[%parallel_loop3A_161] in [0] : vector<16xi32>, vector<16xi32> -> vector<16xi32>
      %parallel_loop3A_163 = arith.cmpf oge, %parallel_loop3A_130, %parallel_loop3A_157 : vector<16xf32>
      %parallel_loop3A_164 = arith.select %parallel_loop3A_163, %parallel_loop3A_130, %parallel_loop3A_157 : vector<16xi1>, vector<16xf32>
      %parallel_loop3A_165 = arith.select %parallel_loop3A_163, %parallel_loop3A_131, %parallel_loop3A_162 : vector<16xi1>, vector<16xi32>
      %parallel_loop3A_166 = arith.constant 15 : i32
      %parallel_loop3A_167 = vector.broadcast %parallel_loop3A_166 : i32 to vector<16xi32>
      %parallel_loop3A_168 = tpu.iota {dimensions = array<i32: 0>} : vector<16xi32>
      %parallel_loop3A_169 = arith.subi %parallel_loop3A_167, %parallel_loop3A_168 : vector<16xi32>
      %parallel_loop3A_170 = tpu.dynamic_gather %parallel_loop3A_151[%parallel_loop3A_169] in [0] : vector<16xf32>, vector<16xi32> -> vector<16xf32>
      %parallel_loop3A_171 = arith.constant 15 : i32
      %parallel_loop3A_172 = vector.broadcast %parallel_loop3A_171 : i32 to vector<16xi32>
      %parallel_loop3A_173 = tpu.iota {dimensions = array<i32: 0>} : vector<16xi32>
      %parallel_loop3A_174 = arith.subi %parallel_loop3A_172, %parallel_loop3A_173 : vector<16xi32>
      %parallel_loop3A_175 = tpu.dynamic_gather %parallel_loop3A_152[%parallel_loop3A_174] in [0] : vector<16xi32>, vector<16xi32> -> vector<16xi32>
      %parallel_loop3A_176 = arith.cmpf oge, %parallel_loop3A_144, %parallel_loop3A_170 : vector<16xf32>
      %parallel_loop3A_177 = arith.select %parallel_loop3A_176, %parallel_loop3A_144, %parallel_loop3A_170 : vector<16xi1>, vector<16xf32>
      %parallel_loop3A_178 = arith.select %parallel_loop3A_176, %parallel_loop3A_145, %parallel_loop3A_175 : vector<16xi1>, vector<16xi32>
      %parallel_loop3A_179 = arith.constant dense<true> : vector<16xi1>
      %parallel_loop3A_180, %parallel_loop3A_181, %parallel_loop3A_182 = tpu.sort %parallel_loop3A_164, %parallel_loop3A_165 masked %parallel_loop3A_179 {descending = true} : (vector<16xf32>, vector<16xi32>, vector<16xi1>) -> (vector<16xi1>, vector<16xf32>, vector<16xi32>)
      %parallel_loop3A_183 = arith.constant dense<true> : vector<16xi1>
      %parallel_loop3A_184, %parallel_loop3A_185, %parallel_loop3A_186 = tpu.sort %parallel_loop3A_177, %parallel_loop3A_178 masked %parallel_loop3A_183 {descending = true} : (vector<16xf32>, vector<16xi32>, vector<16xi1>) -> (vector<16xi1>, vector<16xf32>, vector<16xi32>)
      %parallel_loop3A_187 = arith.constant 15 : i32
      %parallel_loop3A_188 = vector.broadcast %parallel_loop3A_187 : i32 to vector<16xi32>
      %parallel_loop3A_189 = tpu.iota {dimensions = array<i32: 0>} : vector<16xi32>
      %parallel_loop3A_190 = arith.subi %parallel_loop3A_188, %parallel_loop3A_189 : vector<16xi32>
      %parallel_loop3A_191 = tpu.dynamic_gather %parallel_loop3A_185[%parallel_loop3A_190] in [0] : vector<16xf32>, vector<16xi32> -> vector<16xf32>
      %parallel_loop3A_192 = arith.constant 15 : i32
      %parallel_loop3A_193 = vector.broadcast %parallel_loop3A_192 : i32 to vector<16xi32>
      %parallel_loop3A_194 = tpu.iota {dimensions = array<i32: 0>} : vector<16xi32>
      %parallel_loop3A_195 = arith.subi %parallel_loop3A_193, %parallel_loop3A_194 : vector<16xi32>
      %parallel_loop3A_196 = tpu.dynamic_gather %parallel_loop3A_186[%parallel_loop3A_195] in [0] : vector<16xi32>, vector<16xi32> -> vector<16xi32>
      %parallel_loop3A_197 = arith.cmpf oge, %parallel_loop3A_181, %parallel_loop3A_191 : vector<16xf32>
      %parallel_loop3A_198 = arith.select %parallel_loop3A_197, %parallel_loop3A_181, %parallel_loop3A_191 : vector<16xi1>, vector<16xf32>
      %parallel_loop3A_199 = arith.select %parallel_loop3A_197, %parallel_loop3A_182, %parallel_loop3A_196 : vector<16xi1>, vector<16xi32>
      %parallel_loop3A_200 = arith.constant dense<true> : vector<16xi1>
      %parallel_loop3A_201, %parallel_loop3A_202, %parallel_loop3A_203 = tpu.sort %parallel_loop3A_198, %parallel_loop3A_199 masked %parallel_loop3A_200 {descending = true} : (vector<16xf32>, vector<16xi32>, vector<16xi1>) -> (vector<16xi1>, vector<16xf32>, vector<16xi32>)
      %parallel_loop3A_204 = vector.shape_cast %max3A_26 : vector<16xi32> to vector<16x1xi32>
      %parallel_loop3A_205 = vector.shape_cast %parallel_loop3A_204 : vector<16x1xi32> to vector<16xi32>
      %parallel_loop3A_206 = tpu.dynamic_gather %parallel_loop3A_202[%parallel_loop3A_205] in [0] : vector<16xf32>, vector<16xi32> -> vector<16xf32>
      %parallel_loop3A_207 = arith.select %lt3A_16, %parallel_loop3A_121, %parallel_loop3A_206 : vector<16xi1>, vector<16xf32>
      %parallel_loop3A_208 = vector.shape_cast %max3A_26 : vector<16xi32> to vector<16x1xi32>
      %parallel_loop3A_209 = vector.shape_cast %parallel_loop3A_208 : vector<16x1xi32> to vector<16xi32>
      %parallel_loop3A_210 = tpu.dynamic_gather %parallel_loop3A_203[%parallel_loop3A_209] in [0] : vector<16xi32>, vector<16xi32> -> vector<16xi32>
      %parallel_loop3A_211 = arith.select %lt3A_16, %parallel_loop3A_122, %parallel_loop3A_210 : vector<16xi1>, vector<16xi32>
      %parallel_loop3A_212 = vector.shape_cast %select_n3A : vector<16xi32> to vector<16x1xi32>
      %parallel_loop3A_213 = vector.shape_cast %parallel_loop3A_212 : vector<16x1xi32> to vector<16xi32>
      %parallel_loop3A_214 = tpu.dynamic_gather %parallel_loop3A_207[%parallel_loop3A_213] in [0] : vector<16xf32>, vector<16xi32> -> vector<16xf32>
      %parallel_loop3A_215 = arith.subf %parallel_loop3A_207, %parallel_loop3A_214 : vector<16xf32>
      %parallel_loop3A_216 = math.exp %parallel_loop3A_215 : vector<16xf32>
      %parallel_loop3A_217 = arith.constant true
      %parallel_loop3A_218 = vector.broadcast %parallel_loop3A_217 : i1 to vector<16xi1>
      %parallel_loop3A_219 = tpu.scan <sum>, %parallel_loop3A_216 masked %parallel_loop3A_218 : vector<16xf32>, vector<16xi1> -> vector<16xf32>
      %parallel_loop3A_220 = vector.shape_cast %add3A_31 : vector<16xi32> to vector<16x1xi32>
      %parallel_loop3A_221 = vector.shape_cast %parallel_loop3A_220 : vector<16x1xi32> to vector<16xi32>
      %parallel_loop3A_222 = tpu.dynamic_gather %parallel_loop3A_219[%parallel_loop3A_221] in [0] : vector<16xf32>, vector<16xi32> -> vector<16xf32>
      %parallel_loop3A_223 = vector.shape_cast %add3A_22 : vector<16xi32> to vector<16x1xi32>
      %parallel_loop3A_224 = vector.shape_cast %parallel_loop3A_223 : vector<16x1xi32> to vector<16xi32>
      %parallel_loop3A_225 = tpu.dynamic_gather %parallel_loop3A_219[%parallel_loop3A_224] in [0] : vector<16xf32>, vector<16xi32> -> vector<16xf32>
      %parallel_loop3A_226 = arith.subf %parallel_loop3A_225, %parallel_loop3A_222 : vector<16xf32>
      %parallel_loop3A_227 = arith.select %lt3A_16, %parallel_loop3A_222, %parallel_loop3A_226 : vector<16xi1>, vector<16xf32>
      %parallel_loop3A_228 = arith.constant 256 : i32
      %parallel_loop3A_229 = arith.addi %parallel_loop3A_228, %parallel_loop3A_41 : i32
      %parallel_loop3A_230 = arith.constant 8 : i32
      %parallel_loop3A_231 = arith.constant 0 : i32
      %parallel_loop3A_232 = arith.cmpi eq, %parallel_loop3A_230, %parallel_loop3A_231 : i32
      %parallel_loop3A_233 = arith.constant 1 : i32
      %parallel_loop3A_234 = arith.select %parallel_loop3A_232, %parallel_loop3A_233, %parallel_loop3A_230 : i32
      %parallel_loop3A_235 = vector.broadcast %parallel_loop3A_234 : i32 to vector<16xi32>
      %parallel_loop3A_236 = arith.remsi %iota3A, %parallel_loop3A_235 : vector<16xi32>
      %parallel_loop3A_237 = arith.constant 0 : i32
      %parallel_loop3A_238 = vector.broadcast %parallel_loop3A_237 : i32 to vector<16xi32>
      %parallel_loop3A_239 = arith.cmpi ne, %parallel_loop3A_236, %parallel_loop3A_238 : vector<16xi32>
      %parallel_loop3A_240 = arith.constant 0 : i32
      %parallel_loop3A_241 = vector.broadcast %parallel_loop3A_240 : i32 to vector<16xi32>
      %parallel_loop3A_242 = arith.cmpi slt, %parallel_loop3A_236, %parallel_loop3A_241 : vector<16xi32>
      %parallel_loop3A_243 = arith.constant 0 : i32
      %parallel_loop3A_244 = arith.cmpi slt, %parallel_loop3A_234, %parallel_loop3A_243 : i32
      %parallel_loop3A_245 = vector.broadcast %parallel_loop3A_244 : i1 to vector<16xi1>
      %parallel_loop3A_246 = vector.broadcast %parallel_loop3A_245 : vector<16xi1> to vector<16xi1>
      %parallel_loop3A_247 = arith.xori %parallel_loop3A_242, %parallel_loop3A_246 : vector<16xi1>
      %parallel_loop3A_248 = arith.andi %parallel_loop3A_247, %parallel_loop3A_239 : vector<16xi1>
      %parallel_loop3A_249 = vector.broadcast %parallel_loop3A_234 : i32 to vector<16xi32>
      %parallel_loop3A_250 = arith.addi %parallel_loop3A_236, %parallel_loop3A_249 : vector<16xi32>
      %parallel_loop3A_251 = arith.select %parallel_loop3A_248, %parallel_loop3A_250, %parallel_loop3A_236 : vector<16xi1>, vector<16xi32>
      %parallel_loop3A_252 = arith.constant 2 : i32
      %parallel_loop3A_253 = arith.muli %parallel_loop3A_252, %parallel_loop3A_229 : i32
      %parallel_loop3A_254 = arith.constant 2 : i32
      %parallel_loop3A_255 = arith.muli %parallel_loop3A_254, %parallel_loop3A_229 : i32
      %parallel_loop3A_256 = arith.constant 1 : i32
      %parallel_loop3A_257 = arith.addi %parallel_loop3A_255, %parallel_loop3A_256 : i32
      %parallel_loop3A_258 = vector.broadcast %parallel_loop3A_253 : i32 to vector<16xi32>
      %parallel_loop3A_259 = vector.broadcast %parallel_loop3A_257 : i32 to vector<16xi32>
      %parallel_loop3A_260 = arith.select %lt3A_16, %parallel_loop3A_258, %parallel_loop3A_259 : vector<16xi1>, vector<16xi32>
      %parallel_loop3A_261 = arith.divf %parallel_loop3A_216, %parallel_loop3A_227 : vector<16xf32>
      tpu.vector_store_idx %arg6[%parallel_loop3A_251, %parallel_loop3A_260], %parallel_loop3A_261 : memref<8x1024xf32, #tpu.memory_space<vmem>>[vector<16xi32>, vector<16xi32>], vector<16xf32>,
      tpu.vector_store_idx %arg7[%parallel_loop3A_251, %parallel_loop3A_260], %parallel_loop3A_211 : memref<8x1024xi32, #tpu.memory_space<vmem>>[vector<16xi32>, vector<16xi32>], vector<16xi32>,
    } {sc.loop_unroll_factor = 2 : i64, sc.parallel_access}
    "tpu.region"() ({
      %run_scoped3A = tpu.sem_alloc : memref<!tpu.dma_semaphore, #tpu.memory_space<semaphore_mem>>
      %dma_start3A = arith.constant 0 : i32
      %dma_start3A_41 = tpu.memref_slice %arg3[%dma_start3A, %mul3A_2] : memref<8x32768xf32, #tpu.memory_space<hbm>> -> memref<8x1024xf32, #tpu.memory_space<hbm>>
      %dma_start3A_42 = arith.constant 0 : i32
      %dma_start3A_43 = tpu.memref_slice %arg3[%dma_start3A_42, %mul3A_2] : memref<8x32768xf32, #tpu.memory_space<hbm>> -> memref<8x1024xf32, #tpu.memory_space<hbm>>
      tpu.enqueue_dma source(%arg6 : memref<8x1024xf32, #tpu.memory_space<vmem>>) target(%dma_start3A_43 : memref<8x1024xf32, #tpu.memory_space<hbm>>) target_semaphore(%run_scoped3A : memref<!tpu.dma_semaphore, #tpu.memory_space<semaphore_mem>>)
      %dma_wait3A = arith.constant 0 : i32
      %dma_wait3A_44 = tpu.memref_slice %arg3[%dma_wait3A, %mul3A_2] : memref<8x32768xf32, #tpu.memory_space<hbm>> -> memref<8x1024xf32, #tpu.memory_space<hbm>>
      %dma_wait3A_45 = arith.constant 0 : i32
      %dma_wait3A_46 = tpu.memref_slice %arg3[%dma_wait3A_45, %mul3A_2] : memref<8x32768xf32, #tpu.memory_space<hbm>> -> memref<8x1024xf32, #tpu.memory_space<hbm>>
      tpu.wait_dma2 semaphore(%run_scoped3A : memref<!tpu.dma_semaphore, #tpu.memory_space<semaphore_mem>>) src(%arg6 : memref<8x1024xf32, #tpu.memory_space<vmem>>) dst(%dma_wait3A_46 : memref<8x1024xf32, #tpu.memory_space<hbm>>)
      tpu.yield
    }) : () -> ()
    "tpu.region"() ({
      %run_scoped3A = tpu.sem_alloc : memref<!tpu.dma_semaphore, #tpu.memory_space<semaphore_mem>>
      %dma_start3A = arith.constant 0 : i32
      %dma_start3A_41 = tpu.memref_slice %arg4[%dma_start3A, %mul3A_2] : memref<8x32768xi32, #tpu.memory_space<hbm>> -> memref<8x1024xi32, #tpu.memory_space<hbm>>
      %dma_start3A_42 = arith.constant 0 : i32
      %dma_start3A_43 = tpu.memref_slice %arg4[%dma_start3A_42, %mul3A_2] : memref<8x32768xi32, #tpu.memory_space<hbm>> -> memref<8x1024xi32, #tpu.memory_space<hbm>>
      tpu.enqueue_dma source(%arg7 : memref<8x1024xi32, #tpu.memory_space<vmem>>) target(%dma_start3A_43 : memref<8x1024xi32, #tpu.memory_space<hbm>>) target_semaphore(%run_scoped3A : memref<!tpu.dma_semaphore, #tpu.memory_space<semaphore_mem>>)
      %dma_wait3A = arith.constant 0 : i32
      %dma_wait3A_44 = tpu.memref_slice %arg4[%dma_wait3A, %mul3A_2] : memref<8x32768xi32, #tpu.memory_space<hbm>> -> memref<8x1024xi32, #tpu.memory_space<hbm>>
      %dma_wait3A_45 = arith.constant 0 : i32
      %dma_wait3A_46 = tpu.memref_slice %arg4[%dma_wait3A_45, %mul3A_2] : memref<8x32768xi32, #tpu.memory_space<hbm>> -> memref<8x1024xi32, #tpu.memory_space<hbm>>
      tpu.wait_dma2 semaphore(%run_scoped3A : memref<!tpu.dma_semaphore, #tpu.memory_space<semaphore_mem>>) src(%arg7 : memref<8x1024xi32, #tpu.memory_space<vmem>>) dst(%dma_wait3A_46 : memref<8x1024xi32, #tpu.memory_space<hbm>>)
      tpu.yield
    }) : () -> ()
    return
  }
}

module attributes {stable_mosaic.version = 14 : i64} {
  func.func @_expand_kernel(%arg0: i32, %arg1: memref<8x4096xf32, #tpu.memory_space<vmem>>, %arg2: memref<8x4096xi32, #tpu.memory_space<vmem>>, %arg3: memref<4096x8xf32, #tpu.memory_space<vmem>>, %arg4: memref<4096x8xi32, #tpu.memory_space<vmem>>) attributes {dimension_semantics = [#tpu.dimension_semantics<parallel>], iteration_bounds = array<i64: 8>, scalar_prefetch = 0 : i64, scratch_operands = 0 : i64, tpu.core_type = #tpu.core_type<tc>, window_params = [{transform_indices = @transform_0, window_bounds = array<i64: 8, 4096>}, {transform_indices = @transform_1, window_bounds = array<i64: 8, 4096>}, {transform_indices = @transform_2, window_bounds = array<i64: 4096, 8>}, {transform_indices = @transform_3, window_bounds = array<i64: 4096, 8>}]} {
    %get3A = arith.constant 0 : index
    %get3A_0 = arith.constant 0 : index
    %get3A_1 = vector.load %arg1[%get3A, %get3A_0] : memref<8x4096xf32, #tpu.memory_space<vmem>>, vector<8x4096xf32>
    %transpose3A = tpu.transpose %get3A_1, [1, 0] : vector<8x4096xf32> -> vector<4096x8xf32>
    %swap3A = arith.constant 0 : index
    %swap3A_2 = arith.constant 0 : index
    %swap3A_3 = vector.load %arg3[%swap3A, %swap3A_2] : memref<4096x8xf32, #tpu.memory_space<vmem>>, vector<4096x8xf32>
    tpu.vector_store %arg3[%swap3A, %swap3A_2], %transpose3A {strides = array<i32>} : memref<4096x8xf32, #tpu.memory_space<vmem>>, vector<4096x8xf32>,
    %get3A_4 = arith.constant 0 : index
    %get3A_5 = arith.constant 0 : index
    %get3A_6 = vector.load %arg2[%get3A_4, %get3A_5] : memref<8x4096xi32, #tpu.memory_space<vmem>>, vector<8x4096xi32>
    %transpose3A_7 = tpu.transpose %get3A_6, [1, 0] : vector<8x4096xi32> -> vector<4096x8xi32>
    %swap3A_8 = arith.constant 0 : index
    %swap3A_9 = arith.constant 0 : index
    %swap3A_10 = vector.load %arg4[%swap3A_8, %swap3A_9] : memref<4096x8xi32, #tpu.memory_space<vmem>>, vector<4096x8xi32>
    tpu.vector_store %arg4[%swap3A_8, %swap3A_9], %transpose3A_7 {strides = array<i32>} : memref<4096x8xi32, #tpu.memory_space<vmem>>, vector<4096x8xi32>,
    return
  }
  func.func @transform_0(%arg0: i32) -> (i32, i32) {
    %c0_i32 = arith.constant 0 : i32
    %c0_i32_0 = arith.constant 0 : i32
    return %c0_i32, %arg0 : i32, i32
  }
  func.func @transform_1(%arg0: i32) -> (i32, i32) {
    %c0_i32 = arith.constant 0 : i32
    %c0_i32_0 = arith.constant 0 : i32
    return %c0_i32, %arg0 : i32, i32
  }
  func.func @transform_2(%arg0: i32) -> (i32, i32) {
    %c0_i32 = arith.constant 0 : i32
    %c0_i32_0 = arith.constant 0 : i32
    return %arg0, %c0_i32 : i32, i32
  }
  func.func @transform_3(%arg0: i32) -> (i32, i32) {
    %c0_i32 = arith.constant 0 : i32
    %c0_i32_0 = arith.constant 0 : i32
    return %arg0, %c0_i32 : i32, i32
  }
}

</mosaic_0001>

<sc_bundles>
// kernel: _sc_topk.4.cloned.1.call-start
scs
__scs_entry_jumppad:
0x0: {  	(pc) =	sbr.rel $0x88, $3  }
0x1: {  	(tag) =	ssettag $0x0;
	lr =	simm.s32 $0x1  }
0x2: {  	[smem:$0x3FA0] =	sst lr;
	_ =	strace $0xD0000000  }
0x3: {  	_ = 	snop  }
0x4: {  	_ = 	snop  }
0x5: {  	_ = 	snop  }
0x6: {  	_ = 	snop  }
0x7: {  	_ = 	snop  }
__scs_overlays_trampoline_lowered:
0x8: {  	[smem:$0x3FAF] =	sst s0  }
0x9: {  	[smem:$0x3FB0] =	sst s1  }
0xa: {  	[smem:$0x3FB1] =	sst s2  }
0xb: {  	[smem:$0x3FB2] =	sst s3  }
0xc: {  	[smem:$0x3FB3] =	sst s4  }
0xd: {  	[smem:$0x3FB4] =	sst s5  }
0xe: {  	[smem:$0x3FB5] =	sst s6  }
0xf: {  	[smem:$0x3FB6] =	sst s7  }
0x10: {  	[smem:$0x3FB7] =	sst s8  }
0x11: {  	[smem:$0x3FB8] =	sst s9;
	s0 =	simm.s32 @!p0 $0x0  }
0x12: {  	s1 =	sld [smem:$0x3F9E];
	s0 =	simm.s32 @p0 $0x1  }
0x13: {  	[smem:$0x3FB9] =	sst s0;
	s0 =	simm.s32 @!p1 $0x0  }
0x14: {  	s2 =	sld [smem:$0x3F9D];
	s0 =	simm.s32 @p1 $0x1  }
0x15: {  	[smem:$0x3FBA] =	sst s0;
	s0 =	simm.s32 @!p2 $0x0  }
0x16: {  	s3 =	sld [smem:$0x3FDB];
	s0 =	simm.s32 @p2 $0x1  }
0x17: {  	s4 =	simm.s32 $0x1BF5;
	[smem:$0x3FBC] =	sst s0  }
0x18: {  	s0 =	sld [smem:$0x3F9F];
	_ =	swait.ge [sflag:s4], $0x0  }
0x19: {  	s7 =	sld [smem:$0x3FA0]  }
0x1a: {  	s8 =	sadd.s32 $0xFFFFE003, lr  }
0x1b: {  	s9 =	sadd.s32 $0xFFFFFEF7, lr;
	s5 =	simm.s32 $0xFFFFFFFF;
	p2 =	slt.u32 s8, $0xFFFFF086  }
0x1c: {  	p1 =	slt.u32 s9, $0xF7A;
	s5 =	simm.s32 @!p2 $0x0  }
0x1d: {  	s5 =	simm.s32 @p1 $0x1;
	p0 =	seq.s32 s7, s2  }
0x1e: {  	s7 =	smul.u32 @!p0 $0xF7A, s2;
	p2 =	seq.s32 @!p0 s5, $0x0  }
0x1f: {  	s9 =	smul.u32 $0xF7A, s1;
	s8 =	simm.s32 @!p0 $0x1BF5;
	p2 =	por !p2, p0  }
0x20: {  	[sflag:s8] =	ssyncset.s32 @!p0 $0xFFFFF086;
	s6 =	sadd.s32 @!p0 s3, s7;
	s7 =	simm.s32 @!p0 $0x108  }
0x21: {  	s3 =	sadd.s32 s3, s9;
	s6 =	sadd.s32 @!p0 $0x88, s6;
	s7 =	simm.s32 @p2 $0x1082  }
0x22: {  	[simem:s7], [sflag:s8] =	dma.local @!p0 [hbm:s6], $0xF7A  }
0x23: {  	s9 =	sor.u32 $0xD0000000, s2;
	s6 =	simm.s32 $0x108;
	_ =	swait.ge @!p0 [sflag:s8], $0x0  }
0x24: {  	s3 =	sadd.s32 $0x88, s3;
	s6 =	simm.s32 @!p1 $0x1082;
	[sflag:s4] =	ssyncset.s32 $0xFFFFF086  }
0x25: {  	[simem:s6], [sflag:s4] =	dma.local [hbm:s3], $0xF7A  }
0x26: {  	[smem:$0x3FA0] =	sst s1;
	(tag) =	ssettag s2;
	_ =	strace s9  }
0x27: {  	s1 =	sld [smem:$0x3FB0]  }
0x28: {  	s2 =	sld [smem:$0x3FB1]  }
0x29: {  	s4 =	sld [smem:$0x3FB3]  }
0x2a: {  	p0 =	seq.s32 s5, $0x0;
	s5 =	sld [smem:$0x3FB4]  }
0x2b: {  	s6 =	sld [smem:$0x3FB5]  }
0x2c: {  	s7 =	sld [smem:$0x3FB6]  }
0x2d: {  	s3 =	simm.s32 $0x108;
	s8 =	sld [smem:$0x3FB7]  }
0x2e: {  	s3 =	simm.s32 @!p0 $0x1082;
	s9 =	sld [smem:$0x3FB8]  }
0x2f: {  	lr =	sadd.s32 s0, s3;
	s0 =	sld [smem:$0x3FAF]  }
0x30: {  	s3 =	sld [smem:$0x3FB2]  }
0x31: {  	[smem:$0x3FBB] =	sst s10  }
0x32: {  	s10 =	sld [smem:$0x3FB9];
	_ =	sdelay $0x3  }
0x33: {  	p0 =	seq.s32 s10, $0x1;
	s10 =	sld [smem:$0x3FBB];
	_ =	sdelay $0x3  }
0x34: {  	[smem:$0x3FBB] =	sst s10  }
0x35: {  	s10 =	sld [smem:$0x3FBA];
	_ =	sdelay $0x3  }
0x36: {  	p1 =	seq.s32 s10, $0x1;
	s10 =	sld [smem:$0x3FBB];
	_ =	sdelay $0x3  }
0x37: {  	[smem:$0x3FBB] =	sst s10  }
0x38: {  	s10 =	sld [smem:$0x3FBC]  }
0x39: {  	_ = 	snop;
	(pc) =	sbr.ind lr, $3  }
0x3a: {  	_ = 	snop  }
0x3b: {  	_ = 	snop  }
0x3c: {  	p2 =	seq.s32 s10, $0x1;
	s10 =	sld [smem:$0x3FBB]  }
0x3d: {  	_ =	shalt  }
0x3e: {  	_ =	shalt  }
0x3f: {  	_ =	shalt  }
0x40: {  	_ =	shalt  }
0x41: {  	_ =	shalt  }
0x42: {  	_ =	shalt  }
0x43: {  	_ =	shalt  }
0x44: {  	_ =	shalt  }
0x45: {  	_ =	shalt  }
0x46: {  	_ =	shalt  }
0x47: {  	_ =	shalt  }
0x48: {  	_ =	shalt  }
0x49: {  	_ =	shalt  }
0x4a: {  	_ =	shalt  }
0x4b: {  	_ =	shalt  }
0x4c: {  	_ =	shalt  }
0x4d: {  	_ =	shalt  }
0x4e: {  	_ =	shalt  }
0x4f: {  	_ =	shalt  }
0x50: {  	_ =	shalt  }
0x51: {  	_ =	shalt  }
0x52: {  	_ =	shalt  }
0x53: {  	_ =	shalt  }
0x54: {  	_ =	shalt  }
0x55: {  	_ =	shalt  }
0x56: {  	_ =	shalt  }
0x57: {  	_ =	shalt  }
0x58: {  	_ =	shalt  }
0x59: {  	_ =	shalt  }
0x5a: {  	_ =	shalt  }
0x5b: {  	_ =	shalt  }
0x5c: {  	_ =	shalt  }
0x5d: {  	_ =	shalt  }
0x5e: {  	_ =	shalt  }
0x5f: {  	_ =	shalt  }
0x60: {  	_ =	shalt  }
0x61: {  	_ =	shalt  }
0x62: {  	_ =	shalt  }
0x63: {  	_ =	shalt  }
0x64: {  	_ =	shalt  }
0x65: {  	_ =	shalt  }
0x66: {  	_ =	shalt  }
0x67: {  	_ =	shalt  }
0x68: {  	_ =	shalt  }
0x69: {  	_ =	shalt  }
0x6a: {  	_ =	shalt  }
0x6b: {  	_ =	shalt  }
0x6c: {  	_ =	shalt  }
0x6d: {  	_ =	shalt  }
0x6e: {  	_ =	shalt  }
0x6f: {  	_ =	shalt  }
0x70: {  	_ =	shalt  }
0x71: {  	_ =	shalt  }
0x72: {  	_ =	shalt  }
0x73: {  	_ =	shalt  }
0x74: {  	_ =	shalt  }
0x75: {  	_ =	shalt  }
0x76: {  	_ =	shalt  }
0x77: {  	_ =	shalt  }
0x78: {  	_ =	shalt  }
0x79: {  	_ =	shalt  }
0x7a: {  	_ =	shalt  }
0x7b: {  	_ =	shalt  }
0x7c: {  	_ =	shalt  }
0x7d: {  	_ =	shalt  }
0x7e: {  	_ =	shalt  }
0x7f: {  	_ =	shalt  }
0x80: {  	_ =	shalt  }
0x81: {  	_ =	shalt  }
0x82: {  	_ =	shalt  }
0x83: {  	_ =	shalt  }
0x84: {  	_ =	shalt  }
0x85: {  	_ =	shalt  }
0x86: {  	_ =	shalt  }
0x87: {  	_ =	shalt  }
.Lfunc_end0:
.L_simem_size_0:
called_computation_lowered:
.L_overlay_start_0:
0x88: {  	s2 =	sld [smem:$0x3FD9]  }
0x89: {  	s3 =	sld [smem:$0x3FFE];
	_ =	sdelay $0x1  }
0x8a: {  	s1 =	srdreg.scid  }
0x8b: {  	s0 =	sand.u32 $0x1, s1  }
0x8c: {  	s14 =	sshll.u32 s0, $0xA;
	s2 =	sadd.s32 s3, s2  }
0x8d: {  	s2 =	sadd.s32 s2, s14  }
0x8e: {  	[smem:$0x3FC7] =	sst s2  }
0x8f: {  	_ = 	snop  }
0x90: {  	s2 =	sld [smem:$0x3FD0];
	_ =	sdelay $0x2  }
0x91: {  	s15 =	simm.s32 $0xA;
	s4 =	simm.s32 $0x10  }
0x92: {  	[smem:s4], [sflag:s15] =	dma.local [hbm:s2], $0x1  }
0x93: {  	_ =	swait.eq [sflag:s15], $0x1  }
0x94: {  	[sflag:s15] =	ssyncset.done $0x0  }
0x95: {  	s16 =	sld [smem:$0x10];
	[sflag:s15] =	ssyncadd.s32 $0xFFFFFFFF  }
0x96: {  	s17 =	sld [smem:$0x11];
	(tm) =	ssettm $0x1  }
0x97: {  	s18 =	sld [smem:$0x3FFB];
	_ =	sdelay $0x3  }
0x98: {  	_ =	strace s18  }
0x99: {  	s4 =	sld [smem:$0x3FFC];
	_ =	sdelay $0x3  }
0x9a: {  	_ =	strace s4  }
0x9b: {  	s4 =	sld [smem:$0x3FFD];
	_ =	sdelay $0x3  }
0x9c: {  	_ =	strace s4  }
0x9d: {  	_ =	strace $0x8FFFFFFF  }
0x9e: {  	s19 =	sld [smem:$0x3FDB];
	_ =	sdelay $0x1  }
0x9f: {  	s5 =	simm.s32 $_scs_section_size  }
0xa0: {  	s6 =	simm.s32 $_size__tile_overlayer_lowered;
	s7 =	simm.s32 $_tile_overlayer_lowered  }
0xa1: {  	s22 =	simm.s32 $0x1BFF;
	s21 =	sshll.u32 s7, $0x1;
	s4 =	sadd.s32 s5, s19  }
0xa2: {  	s8 =	simm.s32 $0x0;
	s20 =	sshll.u32 s6, $0x1;
	s6 =	sadd.s32 s21, s4  }
0xa3: {  	[timem:s8], [sflag:s22] =	dma.local [hbm:s6], s20  }
0xa4: {  	_ =	swait.ge [sflag:s22], s20  }
0xa5: {  	s5 =	ssub.s32 $0x0, s20;
	[sflag:s22] =	ssyncset.done $0x0  }
0xa6: {  	[sflag:s22] =	ssyncadd.s32 s5;
	_ =	sdelay $0x1  }
0xa7: {  	s23 =	simm.s32 $0x1B8B  }
0xa8: {  	_ =	swait.ge [sflag:s23], $0x1  }
0xa9: {  	[sflag:s23] =	ssyncset.done $0x0  }
0xaa: {  	s25 =	simm.s32 $0x1B8E;
	s24 =	sld [smem:$0x3FFE];
	[sflag:s23] =	ssyncadd.s32 $0xFFFFFFFF  }
0xab: {  	s26 =	simm.s32 $execute0_lowered;
	[smem:$0x3FD2] =	sst s25  }
0xac: {  	s6 =	sshll.u32 s26, $0x1;
	_ =	strace $0x80000046;
	[dreg:$0x1] =	wrdreg $0xFFFFFFFF  }
0xad: {  	s28 =	simm.s32 $_size_execute0_lowered;
	s4 =	sadd.s32 s4, s6;
	[dreg:$0x0] =	wrdreg $0x0  }
0xae: {  	s6 =	sshll.u32 s28, $0x1;
	[dreg:$0x2] =	wrdreg s4  }
0xaf: {  	[dreg:$0x3] =	wrdreg s6  }
0xb0: {  	[dreg:$0x4] =	wrdreg $0xC0  }
0xb1: {  	_ =	task [dreg:s8], $0x5FFFF  }
0xb2: {  	[dreg:$0x1] =	wrdreg $0xFFFFFFFF  }
0xb3: {  	[dreg:$0x0] =	wrdreg $0x60  }
0xb4: {  	[dreg:$0x2] =	wrdreg s24  }
0xb5: {  	[dreg:$0x3] =	wrdreg s17  }
0xb6: {  	[dreg:$0x4] =	wrdreg s16  }
0xb7: {  	[dreg:$0x5] =	wrdreg $0x9  }
0xb8: {  	_ =	task.clear_ibuf [dreg:s8], $0x6FFFF;
	_ =	strace $0x90000046  }
0xb9: {  	s29 =	simm.s32 $0x9;
	_ =	strace $0x80000048  }
0xba: {  	_ =	swait.ge [sflag:s29], $0x1  }
0xbb: {  	[sflag:s29] =	ssyncadd.s32 $0xFFFFFFFF  }
0xbc: {  	_ =	strace $0x90000048  }
0xbd: {  	_ =	sfence  }
0xbe: {  	s30 =	sld [smem:$0x0];
	_ =	sdelay $0x2  }
0xbf: {  	s31 =	sshll.u32 s1, $0xD;
	s1 =	sshrl.u32 s1, $0x2  }
0xc0: {  	s3 =	sand.u32 $0x4000, s31;
	s1 =	sadd.s32 s1, s30  }
0xc1: {  	s0 =	sor.u32 s3, s0;
	s1 =	sshll.u32 s1, $0x11  }
0xc2: {  	s0 =	sor.u32 s1, s0  }
0xc3: {  	s0 =	sadd.s32 $0x8F2B, s0  }
0xc4: {  	[sflag:s0] =	ssyncadd.remote.s32 $0x1  }
0xc5: {  	_ =	sfence.sel $0xFFFF  }
0xc6: {  	[dreg:$0x0] =	wrdreg $0xFFFFFFFF;
	(pc) =	sbr.abs _section_cstart, $3  }
0xc7: {  	[dreg:$0x1] =	wrdreg $0xFFFFFFFF  }
0xc8: {  	_ =	task.clear_ibuf [dreg:s8], $0x2FFFF;
	_ =	strace $0x9FFFFFFF  }
0xc9: {  	(tm) =	ssettm $0x7FFFFFFF  }
tec
execute0_lowered:
.L_overlay_start_1:
0x0: {  	(tag) =	ssettag $0x1  }
0x1: {  	v0 =	vimm.s32 $0xE40000;
	s3 =	rddreg [dreg:$0x0]  }
0x2: {  	s5 =	rddreg [dreg:$0x1];
	s1 =	srdreg.scid;
	v0 =	vunpack.c.l.s2.s4 v0  }
0x3: {  	s6 =	rddreg [dreg:$0x2];
	s0 =	stileid.u32;
	s2 =	simm.s32 $0x0  }
0x4: {  	v3 =	vimm.s32 $0x7060504;
	s10 =	simm.s32 $0x12000;
	s11 =	simm.s32 $0x0;
	s4 =	sand.u32 $0x1, s1;
	v2 =	vunpack.c.l.s4.s8 v0  }
0x5: {  	vm0 =	vcmask $0x3F30;
	v8 =	vimm.s32 $0xF;
	s1 =	rddreg [dreg:$0x3];
	s8 =	sshll.u32 s0, $0xA;
	s7 =	sshll.u32 s4, $0xE;
	v0 =	vlaneseq.u32  }
0x6: {  	[smem:$0x7FF] =	sst s2;
	v6 =	vunpack.c.0.s8.s32 v3;
	s4 =	ssub.s32 $0x2, s4;
	s7 =	sor.u32 s8, s7;
	v1 =	vor.u32 $0x10, v0;
	v4 =	vunpack.c.0.s8.s32 v2  }
0x7: {  	_ =	strace $0x80000047;
	s9 =	sshrl.u32 s4, $0x1;
	s8 =	sshll.u32 s7, $0x4;
	v5 =	vmul.u32 $0xFFFFFFFF, v0;
	v3 =	vor.u32 $0x30, v0;
	v9 =	vand.u32 $0x7, v0  }
0x8: {  	s9 =	ssub.s32 s4, s9;
	s5 =	sadd.s32 s5, s7;
	s6 =	sadd.s32 s6, s7;
	v2 =	vor.u32 $0x20, v0;
	v9 =	vmul.u32 $0x80, v9;
	v7 =	vand.u32 $0x3, v4  }
0x9: {  	s8 =	sadd.s32 s8, s3;
	s7 =	smax.u32 s9, $0x1;
	s9 =	simm.s32 $0x10000;
	v4 =	vadd.s32 $0xF, v5;
	v5 =	vsel vm0, v6, v7;
	v6 =	vshrl.u32 v0, $0x3  }
0xa: {  	s3 =	sadd.s32 $0xE00, s8;
	s4 =	sadd.s32 $0x2E00, s8;
	s8 =	simm.s32 $0x1;
	vm0 =	vmmov $0xff;
	v7 =	vimm.s32 $0x7;
	v6 =	vmul.u32 $0x8, v6  }
.LBB2_1:
0xb: {  	[tilespmem:s2], [sflag:$0x1] =	stream.linear.gather [hbm4b:s3+s2], $0x10000, $0x38;
	[tilespmem:$0x14000] =	vst v63  }
0xc: {  	_ =	swait.ge [sflag:s8], $0x10000  }
0xd: {  	[sflag:s8] =	ssyncset.done $0x0  }
0xe: {  	s12 =	simm.s32 $0x100;
	[sflag:s8] =	ssyncadd.s32 $0xFFFF0000  }
0xf: {  	v10 =	vld [tilespmem:s12+$0xFFFFFF80]  }
0x10: {  	v11 =	vld [tilespmem:s12+$0xFFFFFF90]  }
0x11: {  	v12 =	vld [tilespmem:s12+$0xFFFFFFB0]  }
0x12: {  	v13 =	vld [tilespmem:s12+$0xB0]  }
0x13: {  	v14 =	vld [tilespmem:s12+$0xFFFFFFA0]  }
0x14: {  	(xrf1) =	vsort.dscd.msk.f32 $0xffff, v10, v0  }
0x15: {  	(xrf1) =	vsort.dscd.msk.f32 $0xffff, v11, v1  }
0x16: {  	(xrf1) =	vsort.dscd.msk.f32 $0xffff, v12, v3  }
0x17: {  	(xrf1) =	vsort.dscd.msk.f32 $0xffff, v13, v3  }
0x18: {  	(xrf1) =	vsort.dscd.msk.f32 $0xffff, v14, v2;
	_ =	sdelay $0x1  }
0x19: {  	v10 =	vld [tilespmem:s12+$0xA0]  }
0x1a: {  	v11 =	vld [tilespmem:s12+$0xFFFFFF30]  }
0x1b: {  	v12 =	vld [tilespmem:s12+$0x90]  }
0x1c: {  	v13 =	vld [tilespmem:s12+$0xFFFFFF20]  }
0x1d: {  	v14 =	vld [tilespmem:s12+$0x80]  }
0x1e: {  	(xrf1) =	vsort.dscd.msk.f32 $0xffff, v10, v2;
	v10 =	vld [tilespmem:s12+$0xFFFFFF10]  }
0x1f: {  	(xrf1) =	vsort.dscd.msk.f32 $0xffff, v11, v3  }
0x20: {  	v11 =	vld [tilespmem:s12+$0xFFFFFF00];
	(xrf1) =	vsort.dscd.msk.f32 $0xffff, v12, v1  }
0x21: {  	v12, v15, _ =	vpop (xrf1);
	(xrf1) =	vsort.dscd.msk.f32 $0xffff, v13, v2  }
0x22: {  	v16 =	vld [tilespmem:s12+$0x30];
	v13, v17, _ =	vpop (xrf1);
	(xrf1) =	vsort.dscd.msk.f32 $0xffff, v14, v0  }
0x23: {  	v14, v18, _ =	vpop (xrf1);
	(xrf1) =	vsort.dscd.msk.f32 $0xffff, v10, v1  }
0x24: {  	v20 =	vld [tilespmem:s12+$0x20];
	v10, v19, _ =	vpop (xrf1);
	v14 =	vperm.xlane v14, v4  }
0x25: {  	v18 =	vperm.xlane v18, v4;
	(xrf1) =	vsort.dscd.msk.f32 $0xffff, v11, v0;
	v11, v21, _ =	vpop (xrf1)  }
0x26: {  	v13 =	vperm.xlane v13, v4;
	v17 =	vperm.xlane v17, v4;
	vm1 =	vge.f32 v11, v14  }
0x27: {  	(xrf1) =	vsort.dscd.msk.f32 $0xffff, v16, v3;
	v16 =	vld [tilespmem:s12+$0x10];
	v11 =	vsel vm1, v11, v14;
	v14 =	vsel vm1, v21, v18  }
0x28: {  	vm1 =	vge.f32 v12, v13;
	(xrf1) =	vsort.dscd.msk.f32 $0xffff, v11, v14  }
0x29: {  	s25 =	simm.s32 $0x300;
	v11 =	vsel vm1, v12, v13;
	v12 =	vld [tilespmem:s12+$0x0];
	v13 =	vsel vm1, v15, v17;
	(xrf1) =	vsort.dscd.msk.f32 $0xffff, v20, v2  }
0x2a: {  	(xrf1) =	vsort.dscd.msk.f32 $0xffff, v11, v13;
	v11 =	vld [tilespmem:s25+$0xFFFFFF80]  }
0x2b: {  	v10 =	vperm.xlane v10, v4  }
0x2c: {  	v18 =	vld [tilespmem:s25+$0xFFFFFF90];
	v15 =	vperm.xlane v19, v4;
	(xrf1) =	vsort.dscd.msk.f32 $0xffff, v16, v1;
	v13, v14, _ =	vpop (xrf1)  }
0x2d: {  	v16, v17, _ =	vpop (xrf1);
	vm1 =	vge.f32 v13, v10  }
0x2e: {  	v19, v20, _ =	vpop (xrf1);
	(xrf1) =	vsort.dscd.msk.f32 $0xffff, v12, v0;
	v12 =	vld [tilespmem:s25+$0xFFFFFFB0];
	v14 =	vsel vm1, v14, v15;
	v15 =	vperm.xlane v16, v4  }
0x2f: {  	v10 =	vsel vm1, v13, v10;
	v16, v21, _ =	vpop (xrf1);
	(xrf1) =	vsort.dscd.msk.f32 $0xffff, v11, v0  }
0x30: {  	v24 =	vld [tilespmem:s25+$0xB0];
	v13 =	vperm.xlane v17, v4;
	v17, v22, _ =	vpop (xrf1);
	(xrf1) =	vsort.dscd.msk.f32 $0xffff, v10, v14  }
0x31: {  	vm1 =	vge.f32 v16, v15;
	v11, v23, _ =	vpop (xrf1);
	(xrf1) =	vsort.dscd.msk.f32 $0xffff, v18, v1  }
0x32: {  	v14 =	vsel vm1, v16, v15;
	v10 =	vperm.xlane v11, v4;
	v11 =	vsel vm1, v21, v13  }
0x33: {  	v13 =	vperm.xlane v19, v4;
	(xrf1) =	vsort.dscd.msk.f32 $0xffff, v12, v3;
	v12, v15, _ =	vpop (xrf1);
	v19 =	vperm.xlane v23, v4  }
0x34: {  	v16 =	vperm.xlane v20, v4;
	v18 =	vld [tilespmem:s25+$0xFFFFFFA0];
	(xrf1) =	vsort.dscd.msk.f32 $0xffff, v14, v11;
	vm1 =	vge.f32 v12, v10  }
0x35: {  	v20 =	vld [tilespmem:s25+$0xA0];
	vm2 =	vge.f32 v17, v13;
	(xrf1) =	vsort.dscd.msk.f32 $0xffff, v24, v3;
	v15 =	vsel vm1, v15, v19  }
0x36: {  	v11, v14, _ =	vpop (xrf1);
	v13 =	vsel vm2, v17, v13;
	v16 =	vsel vm2, v22, v16;
	v10 =	vsel vm1, v12, v10  }
0x37: {  	v21, v23, _ =	vpop (xrf1);
	(xrf1) =	vsort.dscd.msk.f32 $0xffff, v13, v16  }
0x38: {  	v17 =	vld [tilespmem:s25+$0xFFFFFF30];
	v11 =	vperm.xlane v11, v4;
	v12, v19, _ =	vpop (xrf1);
	(xrf1) =	vsort.dscd.msk.f32 $0xffff, v10, v15  }
0x39: {  	v14 =	vperm.xlane v14, v4;
	v13 =	vperm.xlane v21, v4;
	(xrf1) =	vsort.dscd.msk.f32 $0xffff, v18, v2;
	v10, v15, _ =	vpop (xrf1)  }
0x3a: {  	v16 =	vperm.xlane v23, v4;
	vm2 =	vge.f32 v12, v11;
	(xrf1) =	vsort.dscd.msk.f32 $0xffff, v20, v2;
	v21, v22, _ =	vpop (xrf1)  }
0x3b: {  	v11 =	vsel vm2, v12, v11;
	vm1 =	vge.f32 v10, v13;
	v18 =	vperm.xlane v21, v4  }
0x3c: {  	v14 =	vsel vm2, v19, v14;
	v21 =	vld [tilespmem:s25+$0x90];
	v22 =	vperm.xlane v22, v4;
	v12, v20, _ =	vpop (xrf1);
	v15 =	vsel vm1, v15, v16  }
0x3d: {  	(xrf1) =	vsort.dscd.msk.f32 $0xffff, v17, v3;
	v10 =	vsel vm1, v10, v13;
	v13 =	vld [tilespmem:s25+$0xFFFFFF20];
	vm1 =	vge.f32 v12, v18  }
0x3e: {  	v16 =	vld [tilespmem:s25+$0x80];
	(xrf1) =	vsort.dscd.msk.f32 $0xffff, v11, v14;
	v12 =	vsel vm1, v12, v18;
	v18 =	vsel vm1, v20, v22  }
0x3f: {  	v11 =	vld [tilespmem:s25+$0xFFFFFF10];
	(xrf1) =	vsort.dscd.msk.f32 $0xffff, v10, v15;
	v14, v17, _ =	vpop (xrf1)  }
0x40: {  	v10, v15, _ =	vpop (xrf1);
	(xrf1) =	vsort.dscd.msk.f32 $0xffff, v12, v18  }
0x41: {  	v12 =	vld [tilespmem:s25+$0xFFFFFF00];
	(xrf1) =	vsort.dscd.msk.f32 $0xffff, v21, v1;
	v18, v19, _ =	vpop (xrf1)  }
0x42: {  	v20, v21, _ =	vpop (xrf1);
	(xrf1) =	vsort.dscd.msk.f32 $0xffff, v13, v2  }
0x43: {  	v13, v23, _ =	vpop (xrf1);
	(xrf1) =	vsort.dscd.msk.f32 $0xffff, v16, v0  }
0x44: {  	v22 =	vld [tilespmem:s25+$0x30];
	(xrf1) =	vsort.dscd.msk.f32 $0xffff, v11, v1;
	v11, v16, _ =	vpop (xrf1)  }
0x45: {  	v10 =	vperm.xlane v10, v4;
	v13 =	vperm.xlane v13, v4;
	v24, v25, _ =	vpop (xrf1)  }
0x46: {  	v20 =	vperm.xlane v20, v4;
	v23 =	vperm.xlane v23, v4;
	(xrf1) =	vsort.dscd.msk.f32 $0xffff, v12, v0;
	v12, v26, _ =	vpop (xrf1)  }
0x47: {  	v15 =	vperm.xlane v15, v4;
	v21 =	vperm.xlane v21, v4;
	v27, v28, _ =	vpop (xrf1);
	vm2 =	vge.f32 v12, v13  }
0x48: {  	vm1 =	vge.f32 v24, v10;
	vm3 =	vge.f32 v27, v20;
	v23 =	vsel vm2, v26, v23  }
0x49: {  	(xrf1) =	vsort.dscd.msk.f32 $0xffff, v22, v3;
	v22 =	vld [tilespmem:s25+$0x20];
	v12 =	vsel vm2, v12, v13;
	v21 =	vsel vm3, v28, v21  }
0x4a: {  	v19 =	vperm.xlane v19, v4;
	v10 =	vsel vm1, v24, v10;
	v20 =	vsel vm3, v27, v20  }
0x4b: {  	v18 =	vperm.xlane v18, v4;
	v15 =	vsel vm1, v25, v15;
	v13, v24, _ =	vpop (xrf1);
	(xrf1) =	vsort.dscd.msk.f32 $0xffff, v12, v23  }
0x4c: {  	v11 =	vperm.xlane v11, v4;
	v26 =	vld [tilespmem:s25+$0x10];
	(xrf1) =	vsort.dscd.msk.f32 $0xffff, v20, v21;
	v12, v23, _ =	vpop (xrf1)  }
0x4d: {  	v16 =	vperm.xlane v16, v4;
	vm1 =	vge.f32 v14, v18;
	v25 =	vld [tilespmem:s25+$0x0];
	v20, v21, _ =	vpop (xrf1);
	(xrf1) =	vsort.dscd.msk.f32 $0xffff, v10, v15  }
0x4e: {  	s26 =	simm.s32 $0x500;
	v14 =	vsel vm1, v14, v18;
	v17 =	vsel vm1, v17, v19;
	v15, v10, _ =	vpop (xrf1);
	(xrf1) =	vsort.dscd.msk.f32 $0xffff, v22, v2  }
0x4f: {  	vm1 =	vge.f32 v13, v11;
	v18, v19, _ =	vpop (xrf1);
	(xrf1) =	vsort.dscd.msk.f32 $0xffff, v14, v17;
	v14 =	vperm.xlane v20, v4;
	v17 =	vld [tilespmem:s26+$0xFFFFFF80]  }
0x50: {  	v16 =	vsel vm1, v24, v16;
	v11 =	vsel vm1, v13, v11;
	v21 =	vperm.xlane v21, v4  }
0x51: {  	v12 =	vperm.xlane v12, v4;
	v20, v22, _ =	vpop (xrf1);
	(xrf1) =	vsort.dscd.msk.f32 $0xffff, v26, v1;
	v26 =	vld [tilespmem:s26+$0xFFFFFF90];
	vm1 =	vge.f32 v18, v14  }
0x52: {  	v13, v24, _ =	vpop (xrf1);
	(xrf1) =	vsort.dscd.msk.f32 $0xffff, v25, v0;
	v14 =	vsel vm1, v18, v14;
	v18 =	vsel vm1, v19, v21;
	v19 =	vld [tilespmem:s26+$0xFFFFFFB0]  }
0x53: {  	v27, v28, _ =	vpop (xrf1);
	(xrf1) =	vsort.dscd.msk.f32 $0xffff, v14, v18  }
0x54: {  	v21 =	vperm.xlane v23, v4;
	vm1 =	vge.f32 v13, v12;
	v23, v25, _ =	vpop (xrf1);
	v18 =	vld [tilespmem:s26+$0xB0];
	(xrf1) =	vsort.dscd.msk.f32 $0xffff, v17, v0  }
0x55: {  	v20 =	vperm.xlane v20, v4;
	v12 =	vsel vm1, v13, v12;
	(xrf1) =	vsort.dscd.msk.f32 $0xffff, v11, v16  }
0x56: {  	v14 =	vperm.xlane v23, v4;
	v11 =	vsel vm1, v24, v21;
	(xrf1) =	vsort.dscd.msk.f32 $0xffff, v26, v1  }
0x57: {  	vm2 =	vge.f32 v27, v20;
	v16 =	vperm.xlane v22, v4;
	v22, v23, _ =	vpop (xrf1);
	(xrf1) =	vsort.dscd.msk.f32 $0xffff, v19, v3  }
0x58: {  	v17 =	vperm.xlane v25, v4;
	vm1 =	vge.f32 v22, v14;
	v13, v19, _ =	vpop (xrf1);
	(xrf1) =	vsort.dscd.msk.f32 $0xffff, v12, v11  }
0x59: {  	(xrf1) =	vsort.dscd.msk.f32 $0xffff, v18, v3;
	v18 =	vsel vm2, v27, v20;
	v20 =	vsel vm1, v22, v14  }
0x5a: {  	v21 =	vld [tilespmem:s26+$0xFFFFFFA0];
	v17 =	vsel vm1, v23, v17;
	v12, v11, _ =	vpop (xrf1)  }
0x5b: {  	v15 =	vperm.xlane v15, v5;
	v16 =	vsel vm2, v28, v16;
	v22, v23, _ =	vpop (xrf1)  }
0x5c: {  	(xrf1) =	vsort.dscd.msk.f32 $0xffff, v18, v16;
	v16 =	vld [tilespmem:s26+$0xA0];
	v18, v14, _ =	vpop (xrf1)  }
0x5d: {  	v12 =	vsel vm0, v12, v15;
	v22 =	vperm.xlane v22, v4;
	(xrf1) =	vsort.dscd.msk.f32 $0xffff, v20, v17;
	v17, v20, _ =	vpop (xrf1)  }
0x5e: {  	v24 =	vld [tilespmem:s26+$0xFFFFFF30];
	v15 =	vperm.xlane v19, v4;
	v26 =	vperm.xlane v12, v6;
	v19, v25, _ =	vpop (xrf1)  }
0x5f: {  	v13 =	vperm.xlane v13, v4;
	(xrf1) =	vsort.dscd.msk.f32 $0xffff, v21, v2;
	v21 =	vperm.xlane v23, v4;
	v23, v27, _ =	vpop (xrf1)  }
0x60: {  	v12 =	vsub.f32 v12, v26;
	vm1 =	vge.f32 v19, v22;
	v23 =	vperm.xlane v23, v4  }
0x61: {  	vm2 =	vge.f32 v17, v13;
	(xrf1) =	vsort.dscd.msk.f32 $0xffff, v16, v2;
	v21 =	vsel vm1, v25, v21  }
0x62: {  	s13 =	simm.s32 $0x1;
	v13 =	vsel vm2, v17, v13;
	v27 =	vperm.xlane v27, v4;
	v19 =	vsel vm1, v19, v22;
	v17, v22, _ =	vpop (xrf1)  }
0x63: {  	v26 =	vld [tilespmem:s26+$0x90];
	v15 =	vsel vm2, v20, v15;
	v20 =	vmov s13;
	(xrf1) =	vsort.dscd.msk.f32 $0xffff, v24, v3;
	v24, v16, _ =	vpop (xrf1);
	vm3 =	vge.f32 v17, v23  }
0x64: {  	v28 =	vld [tilespmem:s26+$0xFFFFFF20];
	v12 =	vmul.f32 $1.442695020e+00, v12;
	(xrf1) =	vsort.dscd.msk.f32 $0xffff, v13, v15;
	v17 =	vsel vm3, v17, v23;
	v23, v29, _ =	vpop (xrf1)  }
0x65: {  	v25 =	vld [tilespmem:s26+$0x80];
	v15 =	vperm.xlane v18, v5;
	(xrf1) =	vsort.dscd.msk.f32 $0xffff, v19, v21;
	v19, v21, _ =	vpop (xrf1)  }
0x66: {  	v13 =	vld [tilespmem:s26+$0xFFFFFF10];
	(erf) = vpow2.f32 v12;
	v12 =	vsel vm0, s2, v20;
	v18 =	vsel vm3, v22, v27;
	v20, v22, _ =	vpop (xrf1)  }
0x67: {  	v15 =	vsel vm0, v24, v15;
	(xrf1) =	vsort.dscd.msk.f32 $0xffff, v17, v18;
	v17 =	vshll.u32 v12, $0x3;
	v18 =	vld [tilespmem:s26+$0xFFFFFF00];
	v24, v27, _ =	vpop (xrf1)  }
0x68: {  	v30 =	vld [tilespmem:s26+$0x30];
	v17 =	vand.u32 $0x7FFFFC00, v17;
	(xrf1) =	vsort.dscd.msk.f32 $0xffff, v26, v1;
	v26 =	vperm.xlane v15, v6;
	v31, v32, _ =	vpop (xrf1)  }
0x69: {  	v51 =	vperm.xlane v22, v4;
	(xrf1) =	vsort.dscd.msk.f32 $0xffff, v28, v2;
	v31 =	vperm.xlane v31, v4  }
0x6a: {  	v12 =	vand.u32 $0x7D, v12;
	v33, v34, _ =	vpop (xrf1);
	v32 =	vperm.xlane v32, v4;
	(xrf1) =	vsort.dscd.msk.f32 $0xffff, v25, v0;
	v25 =	vperm.xlane v27, v4  }
0x6b: {  	s28 =	simm.s32 $0x3;
	v27 =	vperm.xlane v19, v4;
	v19 =	vor.u32 v17, v12;
	v35, v36, _ =	vpop (xrf1);
	(xrf1) =	vsort.dscd.msk.f32 $0xffff, v13, v1  }
0x6c: {  	s29 =	simm.s32 $0x2;
	v28 =	vmov s28;
	v12 =	vperm.xlane v21, v4;
	v21 =	vperm.xlane v24, v4;
	v13, v17, _ =	vpop (xrf1);
	(xrf1) =	vsort.dscd.msk.f32 $0xffff, v18, v0  }
0x6d: {  	v24 =	vsel vm0, s29, v28;
	vm1 =	vge.f32 v35, v27;
	vm2 =	vge.f32 v13, v31;
	v37, v38, _ =	vpop (xrf1);
	(xrf1) =	vsort.dscd.msk.f32 $0xffff, v30, v3  }
0x6e: {  	v17 =	vsel vm2, v17, v32;
	v30 =	vsel vm2, v13, v31;
	vm2 =	vge.f32 v37, v21  }
0x6f: {  	v28 =	vld [tilespmem:s26+$0x20];
	v18 =	vshll.u32 v24, $0x3;
	(xrf1) =	vsort.dscd.msk.f32 $0xffff, v30, v17;
	v17 =	vperm.xlane v20, v4;
	v20 =	vsel vm2, v37, v21  }
0x70: {  	v15 =	vsub.f32 v15, v26;
	v18 =	vand.u32 $0x7FFFFC00, v18;
	v27 =	vsel vm1, v35, v27;
	v13 =	vpop (erf)  }
0x71: {  	v24 =	vand.u32 $0x7F, v24;
	v12 =	vsel vm1, v36, v12;
	v21 =	vsel vm2, v38, v25;
	v25 =	vld [tilespmem:s26+$0x10];
	(xrf2) =	vadd.scan.msk.f32 $0xffff, v13  }
0x72: {  	v22 =	vor.u32 v18, v24;
	(xrf1) =	vsort.dscd.msk.f32 $0xffff, v20, v21;
	v30, v31, _ =	vpop (xrf1);
	vm1 =	vge.f32 v23, v17  }
0x73: {  	v21 =	vld [tilespmem:s26+$0x0];
	(xrf1) =	vsort.dscd.msk.f32 $0xffff, v27, v12;
	v17 =	vsel vm1, v23, v17;
	v23 =	vsel vm1, v29, v51;
	v18, v20, _ =	vpop (xrf1)  }
0x74: {  	v24, v27, _ =	vpop (xrf1);
	(xrf1) =	vsort.dscd.msk.f32 $0xffff, v28, v2;
	v28 =	vperm.xlane v33, v4;
	v18 =	vperm.xlane v18, v4  }
0x75: {  	s13 =	simm.s32 $0x700;
	v29, v12, _ =	vpop (xrf1);
	(xrf1) =	vsort.dscd.msk.f32 $0xffff, v17, v23;
	v17 =	vperm.xlane v24, v4;
	v26 =	vperm.xlane v27, v4  }
0x76: {  	v20 =	vperm.xlane v20, v4;
	v27 =	vperm.xlane v34, v4;
	v23, v24, _ =	vpop (xrf1);
	(xrf1) =	vsort.dscd.msk.f32 $0xffff, v25, v1;
	v25 =	vld [tilespmem:s13+$0xFFFFFF80]  }
0x77: {  	vm1 =	vge.f32 v30, v28;
	v29 =	vperm.xlane v29, v5;
	vm2 =	vge.f32 v23, v17  }
0x78: {  	v56 =	vld [tilespmem:s13+$0xFFFFFF90];
	v52, v53, _ =	vpop (xrf1);
	(xrf1) =	vsort.dscd.msk.f32 $0xffff, v21, v0;
	v17 =	vsel vm2, v23, v17;
	v21 =	vsel vm2, v24, v26  }
0x79: {  	v55, v54, _ =	vpop (xrf1);
	v23 =	vsel vm1, v31, v27;
	v27 =	vld [tilespmem:s13+$0xFFFFFFB0];
	v33 =	vperm.xlane v53, v4;
	v32 =	vperm.xlane v52, v4  }
0x7a: {  	(xrf1) =	vsort.dscd.msk.f32 $0xffff, v17, v21;
	v17 =	vsel vm1, v30, v28;
	vm1 =	vge.f32 v55, v18;
	v24, v26, _ =	vpop (xrf1)  }
0x7b: {  	v31 =	vld [tilespmem:s13+$0xB0];
	v20 =	vsel vm1, v54, v20;
	v18 =	vsel vm1, v55, v18;
	v21, v28, _ =	vpop (xrf1);
	(xrf1) =	vsort.dscd.msk.f32 $0xffff, v25, v0  }
0x7c: {  	vm1 =	vge.f32 v24, v32;
	v21 =	vperm.xlane v21, v4;
	v25, v30, _ =	vpop (xrf1);
	(xrf1) =	vsort.dscd.msk.f32 $0xffff, v17, v23;
	v17 =	vmul.f32 $1.442695020e+00, v15  }
0x7d: {  	s30 =	simm.s32 $0x5;
	v28 =	vperm.xlane v28, v4;
	v24 =	vsel vm1, v24, v32;
	v15, v23, _ =	vpop (xrf1);
	(xrf1) =	vsort.dscd.msk.f32 $0xffff, v56, v1  }
0x7e: {  	v57 =	vmov s30;
	v59 =	vld [tilespmem:s13+$0xFFFFFFA0];
	v58, _, _ =	vpop (xrf2);
	v26 =	vsel vm1, v26, v33;
	vm2 =	vge.f32 v25, v21;
	(xrf1) =	vsort.dscd.msk.f32 $0xffff, v27, v3  }
0x7f: {  	s12 =	simm.s32 $0x4;
	v60 =	vld [tilespmem:s13+$0xA0];
	(erf) = vpow2.f32 v17;
	v27 =	vsel vm2, v30, v28;
	v28 =	vperm.xlane v15, v4;
	v30, v15, _ =	vpop (xrf1);
	(xrf1) =	vsort.dscd.msk.f32 $0xffff, v18, v20  }
0x80: {  	v18 =	vsel vm2, v25, v21;
	v20 =	vperm.xlane v23, v4;
	v25 =	vsel vm0, s12, v57;
	v21, v23, _ =	vpop (xrf1);
	(xrf1) =	vsort.dscd.msk.f32 $0xffff, v31, v3  }
0x81: {  	s14 =	simm.s32 $0x7;
	v31 =	vshll.u32 v25, $0x3;
	v61, v17, _ =	vpop (xrf1);
	v21 =	vperm.xlane v21, v4;
	(xrf1) =	vsort.dscd.msk.f32 $0xffff, v24, v26;
	v24 =	vsel vm0, v30, v29  }
0x82: {  	s31 =	simm.s32 $0x6;
	v62 =	vld [tilespmem:s13+$0xFFFFFF30];
	v26 =	vand.u32 $0x7FFFFC00, v31;
	v30 =	vperm.xlane v58, v8;
	v31 =	vmov s14;
	v45, v63, _ =	vpop (xrf1);
	(xrf1) =	vsort.dscd.msk.f32 $0xffff, v18, v27  }
0x83: {  	v23 =	vperm.xlane v23, v4;
	v29 =	vperm.xlane v24, v6;
	v31 =	vsel vm0, s31, v31;
	v18, v27, _ =	vpop (xrf1);
	(xrf1) =	vsort.dscd.msk.f32 $0xffff, v59, v2  }
0x84: {  	vm2 =	vge.f32 v45, v28;
	v41 =	vshll.u32 v31, $0x3;
	vm1 =	vge.f32 v18, v21;
	(xrf1) =	vsort.dscd.msk.f32 $0xffff, v60, v2  }
0x85: {  	v39, v40, _ =	vpop (xrf1);
	v28 =	vsel vm2, v45, v28;
	v42 =	vsub.f32 v24, v29;
	v29 =	vperm.xlane v61, v5  }
0x86: {  	v20 =	vsel vm2, v63, v20;
	v46 =	vperm.xlane v39, v4;
	v47 =	vperm.xlane v40, v4  }
0x87: {  	v31 =	vand.u32 $0x7F, v31;
	v21 =	vsel vm1, v18, v21;
	v48 =	vsel vm1, v27, v23;
	v27, v49, _ =	vpop (xrf1);
	(xrf1) =	vsort.dscd.msk.f32 $0xffff, v62, v3  }
0x88: {  	v51 =	vld [tilespmem:s13+$0x90];
	v52 =	vand.u32 $0x7FFFFC00, v41;
	(xrf1) =	vsort.dscd.msk.f32 $0xffff, v28, v20;
	v28 =	vperm.xlane v58, v7;
	vm1 =	vge.f32 v27, v46;
	v50, v18, _ =	vpop (xrf1)  }
0x89: {  	v53 =	vld [tilespmem:s13+$0xFFFFFF20];
	v20 =	vand.u32 $0x7D, v25;
	v23 =	vpop (erf);
	v34 =	vsel vm1, v27, v46;
	v32 =	vsel vm0, v50, v29  }
0x8a: {  	v54 =	vld [tilespmem:s13+$0x80];
	v27, v24, _ =	vpop (xrf1);
	(xrf1) =	vsort.dscd.msk.f32 $0xffff, v21, v48;
	v21 =	vor.u32 v26, v20;
	v20 =	vor.u32 v52, v31;
	v31 =	vmul.f32 $1.442695020e+00, v42  }
0x8b: {  	v57 =	vld [tilespmem:s13+$0xFFFFFF10];
	v39 =	vsel vm1, v49, v47;
	v30 =	vsub.f32 v30, v28;
	(xrf2) =	vadd.scan.msk.f32 $0xffff, v23;
	v58 =	vperm.xlane v32, v6;
	v56, v55, _ =	vpop (xrf1)  }
0x8c: {  	v22 =	vor.u32 v9, v22;
	v26 =	vld [tilespmem:s13+$0xFFFFFF00];
	(xrf1) =	vsort.dscd.msk.f32 $0xffff, v34, v39;
	v25, v29, _ =	vpop (xrf1);
	(erf) = vpow2.f32 v31  }
0x8d: {  	v44 =	vld [tilespmem:s13+$0x30];
	v28 =	vsel vm0, v28, v30;
	v62 =	vsub.f32 v32, v58;
	v43, v59, _ =	vpop (xrf1);
	(xrf1) =	vsort.dscd.msk.f32 $0xffff, v51, v1  }
0x8e: {  	v63 =	vperm.xlane v56, v4;
	v35 =	vperm.xlane v55, v4;
	v61, v60, _ =	vpop (xrf1);
	(xrf1) =	vsort.dscd.msk.f32 $0xffff, v53, v2  }
0x8f: {  	v37 =	vperm.xlane v59, v4;
	v40 =	vperm.xlane v43, v4;
	v30, v32, _ =	vpop (xrf1);
	(xrf1) =	vsort.dscd.msk.f32 $0xffff, v54, v0  }
0x90: {  	v34 =	vperm.xlane v61, v4;
	v38 =	vperm.xlane v60, v4;
	v45, v33, _ =	vpop (xrf1);
	(xrf1) =	vsort.dscd.msk.f32 $0xffff, v57, v1  }
0x91: {  	v30 =	vperm.xlane v30, v4;
	v39, v41, _ =	vpop (xrf1);
	(xrf1) =	vsort.dscd.msk.f32 $0xffff, v26, v0;
	vm1 =	vge.f32 v45, v63  }
0x92: {  	s14 =	simm.s32 $0x6;
	v31 =	vld [tilespmem:s13+$0x20];
	v26 =	vmul.f32 $1.442695020e+00, v62;
	v43, v42, _ =	vpop (xrf1);
	(xrf1) =	vsort.dscd.msk.f32 $0xffff, v44, v3;
	vm2 =	vge.f32 v39, v34;
	v36 =	vsel vm1, v45, v63  }
.LBB2_2:
0x93: {  	v25 =	vperm.xlane v25, v4;
	vm3 =	vge.f32 v43, v40  }
0x94: {  	s14 =	sadd.s32 $0x2, s14;
	v44, v45, _ =	vpop (xrf1);
	v38 =	vsel vm2, v41, v38;
	s12 =	sadd.s32 $0x4, s12;
	v32 =	vperm.xlane v32, v4;
	v47 =	vsel vm2, v39, v34  }
0x95: {  	v49 =	vperm.xlane v29, v4;
	p0 =	slt.u32 s14, $0xFE;
	v40 =	vsel vm3, v43, v40;
	v37 =	vsel vm3, v42, v37;
	v41 =	vld [tilespmem:s13+$0x10];
	s15 =	sadd.s32 $0x1, s12;
	s16 =	sadd.s32 $0x3, s12;
	v42 =	vpop (erf)  }
0x96: {  	v33 =	vsel vm1, v33, v35;
	vm4 =	vge.f32 v44, v30;
	vm3 =	vge.f32 v27, v25;
	v43, v46, _ =	vpop (xrf1)  }
0x97: {  	v10 =	vperm.xlane v10, v5;
	v32 =	vsel vm4, v45, v32;
	v48 =	vmov s15;
	(xrf1) =	vsort.dscd.msk.f32 $0xffff, v47, v38;
	v34, _, _ =	vpop (xrf2)  }
0x98: {  	v19 =	vor.u32 v9, v19;
	v30 =	vsel vm4, v44, v30;
	v35, v38, _ =	vpop (xrf1);
	(xrf2) =	vadd.scan.msk.f32 $0xffff, v42;
	v44 =	vperm.xlane v34, v7  }
0x99: {  	v43 =	vperm.xlane v43, v4;
	v45 =	vsel vm3, v27, v25;
	v27 =	vsel vm0, s12, v48;
	v47 =	vld [tilespmem:s13+$0x0];
	(xrf1) =	vsort.dscd.msk.f32 $0xffff, v40, v37;
	v37, v39, _ =	vpop (xrf1)  }
0x9a: {  	v24 =	vsel vm3, v24, v49;
	v40 =	vperm.xlane v46, v4;
	v29, v46, _ =	vpop (xrf1);
	(xrf1) =	vsort.dscd.msk.f32 $0xffff, v36, v33;
	(erf) = vrcp.f32 v28  }
0x9b: {  	v14 =	vperm.xlane v14, v5;
	v25 =	vshll.u32 v27, $0x3;
	v28 =	vperm.xlane v34, v8;
	(xrf1) =	vsort.dscd.msk.f32 $0xffff, v31, v2  }
0x9c: {  	v11 =	vsel vm0, v11, v10;
	v25 =	vand.u32 $0x7FFFFC00, v25;
	v35 =	vperm.xlane v35, v4;
	v31, v33, _ =	vpop (xrf1)  }
0x9d: {  	s15 =	sadd.s32 $0x2, s12;
	v38 =	vperm.xlane v38, v4;
	v10 =	vsub.f32 v28, v44;
	v34, v36, _ =	vpop (xrf1);
	(xrf1) =	vsort.dscd.msk.f32 $0xffff, v45, v24;
	v24 =	vmov s16  }
0x9e: {  	s13 =	sadd.s32 $0x200, s13;
	vm2 =	vge.f32 v29, v35;
	(xrf1) =	vsort.dscd.msk.f32 $0xffff, v41, v1;
	v41, v45, _ =	vpop (xrf1);
	v28 =	vsel vm0, s15, v24;
	v24 =	vsel vm0, v16, v14  }
0x9f: {  	v37 =	vperm.xlane v37, v5;
	v29 =	vsel vm2, v29, v35;
	v10 =	vsel vm0, v44, v10;
	v14 =	vld [tilespmem:s13+$0xFFFFFF80];
	v16, v48, _ =	vpop (xrf1)  }
0xa0: {  	vm1 =	vge.f32 v34, v43;
	v44 =	vld [tilespmem:s13+$0xFFFFFF90];
	v16 =	vperm.xlane v16, v4;
	v49, v50, _ =	vpop (xrf1)  }
0xa1: {  	v35 =	vsel vm2, v46, v38;
	v51 =	vld [tilespmem:s13+$0xB0];
	(xrf1) =	vsort.dscd.msk.f32 $0xffff, v47, v0;
	v47, v52, _ =	vpop (xrf1);
	(erf) = vrcp.f32 v10  }
0xa2: {  	v33 =	vperm.xlane v33, v4;
	v46 =	vshll.u32 v28, $0x3;
	v10 =	vperm.xlane v48, v4;
	v38 =	vld [tilespmem:s13+$0xFFFFFFB0];
	(xrf1) =	vsort.dscd.msk.f32 $0xffff, v29, v35;
	v29, _, _ =	vpop (xrf2)  }
0xa3: {  	v31 =	vperm.xlane v31, v4;
	v36 =	vsel vm1, v36, v40;
	vm2 =	vge.f32 v49, v16;
	v35 =	vld [tilespmem:s13+$0xA0];
	v40 =	vpop (erf)  }
0xa4: {  	v48 =	vld [tilespmem:s13+$0xFFFFFF30];
	(xrf1) =	vsort.dscd.msk.f32 $0xffff, v14, v0;
	v14 =	vsel vm1, v34, v43;
	v34 =	vand.u32 $0x7FFFFC00, v46;
	v53 =	vmul.f32 v40, v13  }
0xa5: {  	v43 =	vsel vm2, v50, v10;
	v46 =	vperm.xlane v47, v4;
	v13 =	vmov v42;
	(xrf1) =	vsort.dscd.msk.f32 $0xffff, v30, v32;
	v30, v32, _ =	vpop (xrf1)  }
0xa6: {  	v16 =	vsel vm2, v49, v16;
	v10 =	vmov v12;
	v42 =	vld [tilespmem:s13+$0xFFFFFFA0];
	(xrf1) =	vsort.dscd.msk.f32 $0xffff, v44, v1;
	[tilespmem:v19+s9+$0x0] =	vst.idx.msk $0xffff, v53  }
0xa7: {  	v47 =	vperm.xlane v29, v8;
	v12 =	vmov v39;
	(xrf1) =	vsort.dscd.msk.f32 $0xffff, v38, v3;
	v38 =	vperm.xlane v52, v4;
	v40, v44, _ =	vpop (xrf1)  }
0xa8: {  	vm1 =	vge.f32 v41, v31;
	(xrf1) =	vsort.dscd.msk.f32 $0xffff, v14, v36;
	v36, v39, _ =	vpop (xrf1);
	(erf) = vpow2.f32 v26;
	[tilespmem:v19+s10+$0x0] =	vst.idx.msk $0xffff, v11  }
0xa9: {  	v49 =	vsel vm1, v41, v31;
	v45 =	vsel vm1, v45, v33;
	v11 =	vmov v15;
	(xrf1) =	vsort.dscd.msk.f32 $0xffff, v51, v3;
	v26, v31, _ =	vpop (xrf1)  }
0xaa: {  	v30 =	vsel vm0, v30, v37;
	v33 =	vperm.xlane v40, v4;
	v15 =	vmov v32;
	(xrf1) =	vsort.dscd.msk.f32 $0xffff, v49, v45;
	v14 =	vpop (erf)  }
0xab: {  	v37 =	vperm.xlane v30, v6;
	v32 =	vld [tilespmem:s13+$0x90];
	(xrf1) =	vsort.dscd.msk.f32 $0xffff, v16, v43;
	v16, v19, _ =	vpop (xrf1);
	v23 =	vmul.f32 v14, v23;
	v14 =	vmov v17  }
0xac: {  	v40 =	vperm.xlane v44, v4;
	vm2 =	vge.f32 v26, v46;
	vm1 =	vge.f32 v16, v33;
	v17, v41, _ =	vpop (xrf1)  }
0xad: {  	(xrf1) =	vsort.dscd.msk.f32 $0xffff, v42, v2;
	v42 =	vperm.xlane v17, v4;
	v41 =	vperm.xlane v41, v4;
	v17 =	vmov v39  }
0xae: {  	v33 =	vsel vm1, v16, v33;
	v16 =	vmov v18;
	v39 =	vld [tilespmem:s13+$0xFFFFFF20];
	(xrf1) =	vsort.dscd.msk.f32 $0xffff, v35, v2;
	[tilespmem:v22+s9+$0x0] =	vst.idx.msk $0xffff, v23  }
0xaf: {  	v26 =	vsel vm2, v26, v46;
	v40 =	vsel vm1, v19, v40;
	v19 =	vmov v21;
	v35 =	vld [tilespmem:s13+$0xFFFFFF10];
	v23, v43, _ =	vpop (xrf1);
	[tilespmem:v22+s10+$0x0] =	vst.idx.msk $0xffff, v24  }
0xb0: {  	v21 =	vsub.f32 v30, v37;
	v22 =	vand.u32 $0x7D, v27;
	(xrf1) =	vsort.dscd.msk.f32 $0xffff, v48, v3;
	vm1 =	vge.f32 v23, v42;
	v30, v18, _ =	vpop (xrf1)  }
0xb1: {  	v36 =	vperm.xlane v36, v5;
	v31 =	vsel vm2, v31, v38;
	v44 =	vld [tilespmem:s13+$0x80];
	v37 =	vsel vm1, v23, v42;
	v23 =	vpop (erf)  }
0xb2: {  	v38 =	vsel vm1, v43, v41;
	v27, v24, _ =	vpop (xrf1);
	(xrf1) =	vsort.dscd.msk.f32 $0xffff, v26, v31;
	v26 =	vmul.f32 $1.442695020e+00, v21;
	v31 =	vperm.xlane v29, v7  }
0xb3: {  	v28 =	vand.u32 $0x7F, v28;
	v30 =	vsel vm0, v30, v36;
	v21 =	vor.u32 v25, v22;
	(xrf1) =	vsort.dscd.msk.f32 $0xffff, v33, v40;
	v33, v40, _ =	vpop (xrf1)  }
0xb4: {  	v36 =	vld [tilespmem:s13+$0xFFFFFF00];
	v25, v29, _ =	vpop (xrf1);
	(xrf1) =	vsort.dscd.msk.f32 $0xffff, v37, v38;
	v37 =	vperm.xlane v30, v6;
	(erf) = vpow2.f32 v26;
	v46 =	vsub.f32 v47, v31  }
0xb5: {  	v22 =	vor.u32 v9, v20;
	v20 =	vor.u32 v34, v28;
	v42, v41, _ =	vpop (xrf1);
	(xrf2) =	vadd.scan.msk.f32 $0xffff, v23  }
0xb6: {  	v45 =	vld [tilespmem:s13+$0x30];
	(xrf1) =	vsort.dscd.msk.f32 $0xffff, v32, v1;
	v34, v38, _ =	vpop (xrf1);
	v43 =	vsub.f32 v30, v37;
	v28 =	vsel vm0, v31, v46  }
.Ltmp0:
0xb7: {  	(xrf1) =	vsort.dscd.msk.f32 $0xffff, v39, v2;
	v26, v32, _ =	vpop (xrf1);
	v34 =	vperm.xlane v34, v4;
	v38 =	vperm.xlane v38, v4;
	(pc) =	sbr.rel @p0 .LBB2_2-.Ltmp0, $4  }
0xb8: {  	v37 =	vperm.xlane v41, v4;
	v31 =	vld [tilespmem:s13+$0x20];
	(xrf1) =	vsort.dscd.msk.f32 $0xffff, v44, v0;
	v44 =	vperm.xlane v33, v4;
	v46, v33, _ =	vpop (xrf1)  }
0xb9: {  	v30 =	vperm.xlane v26, v4;
	(xrf1) =	vsort.dscd.msk.f32 $0xffff, v35, v1;
	v35 =	vperm.xlane v40, v4;
	v39, v41, _ =	vpop (xrf1)  }
0xba: {  	v26 =	vmul.f32 $1.442695020e+00, v43;
	v40 =	vperm.xlane v42, v4;
	(xrf1) =	vsort.dscd.msk.f32 $0xffff, v36, v0;
	vm1 =	vge.f32 v46, v44  }
0xbb: {  	vm2 =	vge.f32 v39, v34;
	v43, v42, _ =	vpop (xrf1);
	(xrf1) =	vsort.dscd.msk.f32 $0xffff, v45, v3;
	v36 =	vsel vm1, v46, v44  }
0xbc: {  	v44 =	vperm.xlane v25, v4;
	vm3 =	vge.f32 v43, v40;
	v25 =	vsel vm2, v41, v38  }
0xbd: {  	v34 =	vsel vm2, v39, v34;
	v33 =	vsel vm1, v33, v35;
	v29 =	vperm.xlane v29, v4  }
0xbe: {  	v50, v51, _ =	vpop (xrf1);
	v40 =	vsel vm3, v43, v40;
	v37 =	vsel vm3, v42, v37;
	(xrf1) =	vsort.dscd.msk.f32 $0xffff, v34, v25  }
0xbf: {  	(erf) = vrcp.f32 v28;
	(xrf1) =	vsort.dscd.msk.f32 $0xffff, v40, v37;
	vm1 =	vge.f32 v27, v44;
	v25 =	vpop (erf)  }
0xc0: {  	v53, _, _ =	vpop (xrf2);
	(xrf1) =	vsort.dscd.msk.f32 $0xffff, v36, v33;
	v29 =	vsel vm1, v24, v29  }
0xc1: {  	v52 =	vld [tilespmem:s13+$0x10];
	v33, v36, _ =	vpop (xrf1);
	v27 =	vsel vm1, v27, v44;
	(xrf1) =	vsort.dscd.msk.f32 $0xffff, v31, v2  }
0xc2: {  	v56 =	vld [tilespmem:s13+$0x0];
	v54 =	vperm.xlane v53, v7;
	v31, v55, _ =	vpop (xrf1);
	v28 =	vperm.xlane v53, v8  }
0xc3: {  	v57, v24, _ =	vpop (xrf1)  }
0xc4: {  	(xrf1) =	vsort.dscd.msk.f32 $0xffff, v27, v29;
	v28 =	vsub.f32 v28, v54;
	v27, v29, _ =	vpop (xrf1)  }
0xc5: {  	v32 =	vperm.xlane v32, v4;
	vm1 =	vge.f32 v50, v30;
	v59, v58, _ =	vpop (xrf1)  }
0xc6: {  	v63 =	vperm.xlane v36, v4;
	(xrf1) =	vsort.dscd.msk.f32 $0xffff, v52, v1;
	v28 =	vsel vm0, v54, v28;
	v60, v61, _ =	vpop (xrf1)  }
0xc7: {  	v32 =	vsel vm1, v51, v32;
	v31 =	vperm.xlane v31, v4;
	(erf) = vrcp.f32 v28;
	v62, v45, _ =	vpop (xrf1);
	(xrf1) =	vsort.dscd.msk.f32 $0xffff, v56, v0  }
0xc8: {  	v38 =	vsel vm1, v50, v30;
	v40 =	vperm.xlane v55, v4;
	v30 =	vpop (erf);
	(erf) = vpow2.f32 v26  }
0xc9: {  	v35 =	vperm.xlane v57, v5;
	vm2 =	vge.f32 v27, v31;
	v28 =	vperm.xlane v33, v4;
	v53, v52, _ =	vpop (xrf1)  }
0xca: {  	v27 =	vsel vm2, v27, v31;
	v29 =	vsel vm2, v29, v40;
	v34 =	vperm.xlane v59, v4;
	v54, v46, _ =	vpop (xrf1)  }
0xcb: {  	v56 =	vperm.xlane v58, v4;
	vm1 =	vge.f32 v60, v28;
	(xrf1) =	vsort.dscd.msk.f32 $0xffff, v27, v29;
	v47, v48, _ =	vpop (xrf1)  }
0xcc: {  	v36 =	vperm.xlane v53, v4;
	v31 =	vperm.xlane v52, v4;
	v33 =	vsel vm1, v61, v63;
	v55, v26, _ =	vpop (xrf1)  }
0xcd: {  	v28 =	vsel vm1, v60, v28;
	vm1 =	vge.f32 v62, v34;
	(xrf1) =	vsort.dscd.msk.f32 $0xffff, v38, v32;
	v29, v57, _ =	vpop (xrf1)  }
0xce: {  	(xrf1) =	vsort.dscd.msk.f32 $0xffff, v28, v33;
	v28 =	vsel vm1, v62, v34;
	v58, v27, _ =	vpop (xrf1)  }
0xcf: {  	(xrf2) =	vadd.scan.msk.f32 $0xffff, v25;
	v61 =	vsel vm1, v45, v56;
	vm2 =	vge.f32 v54, v36;
	v60 =	vperm.xlane v47, v4;
	v32, v38, _ =	vpop (xrf1)  }
0xd0: {  	v59 =	vsel vm2, v46, v31;
	v36 =	vsel vm2, v54, v36;
	(xrf1) =	vsort.dscd.msk.f32 $0xffff, v28, v61;
	v31 =	vpop (erf)  }
0xd1: {  	v62 =	vperm.xlane v48, v4;
	v29 =	vperm.xlane v29, v4;
	(xrf1) =	vsort.dscd.msk.f32 $0xffff, v36, v59;
	v28 =	vpop (erf)  }
0xd2: {  	v63 =	vsel vm0, v55, v35;
	v45 =	vperm.xlane v57, v4;
	v34, v37, _ =	vpop (xrf1);
	vm2 =	vge.f32 v32, v60;
	(xrf2) =	vadd.scan.msk.f32 $0xffff, v28  }
0xd3: {  	vm1 =	vge.f32 v34, v29;
	v32 =	vsel vm2, v32, v60;
	v38 =	vsel vm2, v38, v62  }
0xd4: {  	v35, v40, _ =	vpop (xrf1);
	v29 =	vsel vm1, v34, v29;
	v36 =	vsel vm1, v37, v45;
	(xrf1) =	vsort.dscd.msk.f32 $0xffff, v32, v38  }
0xd5: {  	v35 =	vperm.xlane v35, v4;
	v48, v47, _ =	vpop (xrf1);
	(xrf1) =	vsort.dscd.msk.f32 $0xffff, v29, v36;
	v29 =	vperm.xlane v63, v6  }
0xd6: {  	v40 =	vperm.xlane v40, v4  }
0xd7: {  	vm1 =	vge.f32 v48, v35  }
0xd8: {  	v49 =	vsel vm1, v48, v35;
	v50 =	vsel vm1, v47, v40  }
0xd9: {  	v51, _, _ =	vpop (xrf2);
	v53 =	vperm.xlane v58, v5;
	(xrf1) =	vsort.dscd.msk.f32 $0xffff, v49, v50  }
0xda: {  	v33 =	vsub.f32 v63, v29;
	v54, v29, _ =	vpop (xrf1)  }
0xdb: {  	v52 =	vperm.xlane v51, v8;
	v35 =	vsel vm0, v54, v53  }
0xdc: {  	v32 =	vperm.xlane v51, v7;
	v56, _, _ =	vpop (xrf2);
	v36 =	vperm.xlane v35, v6  }
0xdd: {  	v59 =	vperm.xlane v56, v7;
	v34 =	vperm.xlane v56, v8  }
0xde: {  	v55 =	vsub.f32 v52, v32;
	v33 =	vmul.f32 $1.442695020e+00, v33  }
0xdf: {  	v57, v58, _ =	vpop (xrf1);
	v35 =	vsub.f32 v35, v36;
	v34 =	vsub.f32 v34, v59  }
0xe0: {  	v32 =	vsel vm0, v32, v55;
	(erf) = vpow2.f32 v33;
	v60 =	vperm.xlane v57, v4  }
0xe1: {  	v40, v41, _ =	vpop (xrf1);
	(erf) = vrcp.f32 v32;
	v35 =	vmul.f32 $1.442695020e+00, v35;
	v48 =	vsel vm0, v59, v34  }
0xe2: {  	v61 =	vperm.xlane v40, v4;
	v63, v45, _ =	vpop (xrf1);
	(erf) = vrcp.f32 v48  }
0xe3: {  	v62 =	vperm.xlane v41, v4;
	v46, v47, _ =	vpop (xrf1);
	(erf) = vpow2.f32 v35  }
0xe4: {  	v38 =	vperm.xlane v58, v4;
	vm2 =	vge.f32 v46, v61  }
0xe5: {  	vm1 =	vge.f32 v63, v60;
	v49 =	vsel vm2, v47, v62;
	v51, v50, _ =	vpop (xrf1);
	v36 =	vsel vm2, v46, v61  }
0xe6: {  	v33 =	vsel vm1, v63, v60;
	v37 =	vperm.xlane v51, v4;
	(xrf1) =	vsort.dscd.msk.f32 $0xffff, v36, v49;
	v52, v32, _ =	vpop (xrf1)  }
0xe7: {  	v53 =	vsel vm1, v45, v38;
	v56 =	vperm.xlane v50, v4;
	v54, v55, _ =	vpop (xrf1)  }
0xe8: {  	(xrf1) =	vsort.dscd.msk.f32 $0xffff, v33, v53;
	vm1 =	vge.f32 v54, v37  }
0xe9: {  	v33 =	vpop (erf);
	v57 =	vsel vm1, v54, v37;
	v58 =	vsel vm1, v55, v56  }
0xea: {  	v34 =	vpop (erf);
	(xrf1) =	vsort.dscd.msk.f32 $0xffff, v57, v58  }
0xeb: {  	(xrf2) =	vadd.scan.msk.f32 $0xffff, v33;
	v35 =	vpop (erf)  }
0xec: {  	v36 =	vpop (erf)  }
0xed: {  	(xrf2) =	vadd.scan.msk.f32 $0xffff, v36;
	_ =	sdelay $0x6  }
0xee: {  	v59 =	vperm.xlane v52, v5;
	v60, v39, _ =	vpop (xrf1)  }
0xef: {  	v62, _, _ =	vpop (xrf2)  }
0xf0: {  	v61, v41, _ =	vpop (xrf1);
	v37 =	vsel vm0, v60, v59  }
0xf1: {  	v63 =	vperm.xlane v61, v5;
	v48 =	vperm.xlane v37, v6;
	v53, _, _ =	vpop (xrf2)  }
0xf2: {  	v50 =	vperm.xlane v62, v8;
	v51 =	vperm.xlane v62, v7;
	v49, v44, _ =	vpop (xrf1)  }
0xf3: {  	v37 =	vsub.f32 v37, v48;
	v54 =	vperm.xlane v53, v7;
	v38 =	vsel vm0, v49, v63  }
0xf4: {  	v43 =	vperm.xlane v53, v8;
	v52 =	vperm.xlane v38, v6  }
0xf5: {  	v45 =	vsub.f32 v50, v51;
	v37 =	vmul.f32 $1.442695020e+00, v37  }
0xf6: {  	v55 =	vsub.f32 v43, v54;
	v38 =	vsub.f32 v38, v52  }
0xf7: {  	v56 =	vsel vm0, v51, v45;
	(erf) = vpow2.f32 v37  }
0xf8: {  	(erf) = vrcp.f32 v56;
	v57 =	vsel vm0, v54, v55;
	v38 =	vmul.f32 $1.442695020e+00, v38  }
0xf9: {  	(erf) = vrcp.f32 v57  }
0xfa: {  	(erf) = vpow2.f32 v38;
	_ =	sdelay $0x5  }
0xfb: {  	v58 =	vpop (erf)  }
0xfc: {  	v59 =	vpop (erf);
	(xrf2) =	vadd.scan.msk.f32 $0xffff, v58  }
0xfd: {  	v60 =	vpop (erf)  }
0xfe: {  	v19 =	vor.u32 v9, v19;
	v61 =	vpop (erf)  }
0xff: {  	(xrf2) =	vadd.scan.msk.f32 $0xffff, v61;
	_ =	sdelay $0x1  }
0x100: {  	v13 =	vmul.f32 v30, v13  }
0x101: {  	v10 =	vperm.xlane v10, v5;
	v14 =	vperm.xlane v14, v5  }
0x102: {  	v12 =	vperm.xlane v12, v5;
	[tilespmem:v19+s9+$0x0] =	vst.idx.msk $0xffff, v13;
	v13 =	vor.u32 v9, v20  }
0x103: {  	s12 =	sadd.s32 $0x4, s12;
	v21 =	vor.u32 v9, v21;
	v10 =	vsel vm0, v11, v10  }
0x104: {  	s18 =	sadd.s32 $0x1, s12;
	s19 =	sadd.s32 $0x3, s12;
	v11 =	vsel vm0, v16, v14;
	v12 =	vsel vm0, v15, v12;
	v23 =	vmul.f32 v31, v23  }
0x105: {  	v15 =	vmul.f32 v35, v28;
	v62 =	vmov s18;
	v48 =	vmov s19;
	v16, _, _ =	vpop (xrf2)  }
0x106: {  	s14 =	sadd.s32 $0x2, s12;
	v43 =	vsel vm0, s12, v62;
	v50 =	vperm.xlane v16, v8;
	v16 =	vperm.xlane v16, v7  }
0x107: {  	[tilespmem:v13+s9+$0x0] =	vst.idx.msk $0xffff, v15;
	v15 =	vperm.xlane v27, v5;
	v46 =	vsel vm0, s14, v48;
	v63 =	vshll.u32 v43, $0x3  }
0x108: {  	v30 =	vand.u32 $0x7D, v43;
	v45 =	vand.u32 $0x7FFFFC00, v63;
	v43 =	vsub.f32 v50, v16;
	v51, _, _ =	vpop (xrf2)  }
0x109: {  	v30 =	vor.u32 v45, v30;
	v52 =	vperm.xlane v51, v7;
	v45 =	vperm.xlane v51, v8  }
0x10a: {  	v15 =	vsel vm0, v29, v15;
	v31 =	vand.u32 $0x7F, v46;
	v16 =	vsel vm0, v16, v43  }
0x10b: {  	[tilespmem:v19+s10+$0x0] =	vst.idx.msk $0xffff, v10;
	v49 =	vshll.u32 v46, $0x3;
	s12 =	sadd.s32 $0x4, s12;
	(erf) = vrcp.f32 v16;
	v19 =	vsub.f32 v45, v52  }
0x10c: {  	[tilespmem:v22+s9+$0x0] =	vst.idx.msk $0xffff, v23;
	v14 =	vand.u32 $0x7FFFFC00, v49;
	s20 =	sadd.s32 $0x1, s12;
	v16 =	vperm.xlane v17, v5;
	v17 =	vmul.f32 v34, v25  }
0x10d: {  	[tilespmem:v22+s10+$0x0] =	vst.idx.msk $0xffff, v11;
	v14 =	vor.u32 v14, v31;
	s21 =	sadd.s32 $0x3, s12;
	v31 =	vmov s20;
	v19 =	vsel vm0, v52, v19  }
0x10e: {  	v11 =	vmov s21;
	v20 =	vsel vm0, s12, v31;
	[tilespmem:v21+s9+$0x0] =	vst.idx.msk $0xffff, v17;
	(erf) = vrcp.f32 v19  }
0x10f: {  	v10 =	vshll.u32 v20, $0x3;
	v17 =	vor.u32 v9, v30;
	v16 =	vsel vm0, v18, v16;
	[tilespmem:v21+s10+$0x0] =	vst.idx.msk $0xffff, v12  }
0x110: {  	s12 =	sadd.s32 $0x2, s12;
	v10 =	vand.u32 $0x7FFFFC00, v10;
	v12 =	vand.u32 $0x7D, v20;
	[tilespmem:v13+s10+$0x0] =	vst.idx.msk $0xffff, v16;
	v13 =	vperm.xlane v24, v5  }
0x111: {  	v11 =	vsel vm0, s12, v11;
	v10 =	vor.u32 v10, v12;
	v12 =	vor.u32 v9, v14  }
0x112: {  	v18 =	vshll.u32 v11, $0x3;
	v14 =	vmul.f32 v59, v33;
	v13 =	vsel vm0, v26, v13  }
0x113: {  	v11 =	vand.u32 $0x7F, v11;
	v18 =	vand.u32 $0x7FFFFC00, v18;
	v10 =	vor.u32 v9, v10  }
0x114: {  	v11 =	vor.u32 v18, v11;
	[tilespmem:v17+s9+$0x0] =	vst.idx.msk $0xffff, v14;
	v14 =	vmul.f32 v60, v36  }
0x115: {  	v11 =	vor.u32 v9, v11;
	[tilespmem:v17+s10+$0x0] =	vst.idx.msk $0xffff, v13;
	v13 =	vpop (erf)  }
0x116: {  	[tilespmem:v12+s9+$0x0] =	vst.idx.msk $0xffff, v14;
	v14 =	vperm.xlane v32, v5;
	v13 =	vmul.f32 v13, v58  }
0x117: {  	[tilespmem:v12+s10+$0x0] =	vst.idx.msk $0xffff, v15;
	v12 =	vperm.xlane v41, v5;
	v15 =	vpop (erf)  }
0x118: {  	v14 =	vsel vm0, v39, v14;
	[tilespmem:v10+s9+$0x0] =	vst.idx.msk $0xffff, v13;
	v13 =	vmul.f32 v15, v61  }
0x119: {  	[tilespmem:v10+s10+$0x0] =	vst.idx.msk $0xffff, v14  }
0x11a: {  	v10 =	vsel vm0, v44, v12;
	[tilespmem:v11+s9+$0x0] =	vst.idx.msk $0xffff, v13  }
0x11b: {  	[tilespmem:v11+s10+$0x0] =	vst.idx.msk $0xffff, v10  }
0x11c: {  	[tilespmem:s2], [sflag:$0x1] =	stream.linear.gather [hbm4b:s4+s2], $0x10000, $0x38;
	[tilespmem:$0x14000] =	vst v63  }
0x11d: {  	_ =	swait.ge [sflag:s8], $0x10000  }
0x11e: {  	[sflag:s8] =	ssyncset.done $0x0  }
0x11f: {  	s22 =	simm.s32 $0x100;
	[sflag:s8] =	ssyncadd.s32 $0xFFFF0000  }
0x120: {  	v10 =	vld [tilespmem:s22+$0xB0]  }
0x121: {  	v11 =	vld [tilespmem:s22+$0xFFFFFF30]  }
0x122: {  	v12 =	vld [tilespmem:s22+$0xFFFFFFB0]  }
0x123: {  	v13 =	vld [tilespmem:s22+$0xFFFFFFA0]  }
0x124: {  	v14 =	vld [tilespmem:s22+$0xA0]  }
0x125: {  	(xrf1) =	vsort.dscd.msk.f32 $0xffff, v10, v3;
	v10 =	vld [tilespmem:s22+$0x80]  }
0x126: {  	(xrf1) =	vsort.dscd.msk.f32 $0xffff, v11, v3;
	v11 =	vld [tilespmem:s22+$0xFFFFFF20]  }
0x127: {  	v15 =	vld [tilespmem:s22+$0x90];
	(xrf1) =	vsort.dscd.msk.f32 $0xffff, v12, v3  }
0x128: {  	v12 =	vld [tilespmem:s22+$0xFFFFFF00];
	(xrf1) =	vsort.dscd.msk.f32 $0xffff, v13, v2  }
0x129: {  	v13 =	vld [tilespmem:s22+$0xFFFFFF90];
	(xrf1) =	vsort.dscd.msk.f32 $0xffff, v14, v2  }
0x12a: {  	v14 =	vld [tilespmem:s22+$0xFFFFFF10];
	(xrf1) =	vsort.dscd.msk.f32 $0xffff, v10, v0  }
0x12b: {  	v10 =	vld [tilespmem:s22+$0x30];
	(xrf1) =	vsort.dscd.msk.f32 $0xffff, v11, v2  }
0x12c: {  	(xrf1) =	vsort.dscd.msk.f32 $0xffff, v15, v1  }
0x12d: {  	v11 =	vld [tilespmem:s22+$0x10];
	(xrf1) =	vsort.dscd.msk.f32 $0xffff, v12, v0  }
0x12e: {  	v12 =	vld [tilespmem:s22+$0x20];
	(xrf1) =	vsort.dscd.msk.f32 $0xffff, v13, v1  }
0x12f: {  	(xrf1) =	vsort.dscd.msk.f32 $0xffff, v14, v1  }
0x130: {  	v13 =	vld [tilespmem:s22+$0x0];
	(xrf1) =	vsort.dscd.msk.f32 $0xffff, v10, v3  }
0x131: {  	v14 =	vld [tilespmem:s22+$0xFFFFFF80]  }
0x132: {  	(xrf1) =	vsort.dscd.msk.f32 $0xffff, v11, v1  }
0x133: {  	(xrf1) =	vsort.dscd.msk.f32 $0xffff, v12, v2;
	v10, v11, _ =	vpop (xrf1)  }
0x134: {  	v12, v15, _ =	vpop (xrf1)  }
0x135: {  	(xrf1) =	vsort.dscd.msk.f32 $0xffff, v13, v0;
	v13, v16, _ =	vpop (xrf1)  }
0x136: {  	(xrf1) =	vsort.dscd.msk.f32 $0xffff, v14, v0;
	v14, v17, _ =	vpop (xrf1)  }
0x137: {  	v18, v19, _ =	vpop (xrf1)  }
0x138: {  	v10 =	vperm.xlane v10, v4;
	v20, v21, _ =	vpop (xrf1)  }
0x139: {  	v13 =	vperm.xlane v13, v4;
	v22, v23, _ =	vpop (xrf1)  }
0x13a: {  	v11 =	vperm.xlane v11, v4;
	v16 =	vperm.xlane v16, v4;
	vm1 =	vge.f32 v18, v10;
	v24, v25, _ =	vpop (xrf1)  }
0x13b: {  	v12 =	vperm.xlane v12, v4;
	vm2 =	vge.f32 v14, v13;
	v10 =	vsel vm1, v18, v10;
	v18, v26, _ =	vpop (xrf1)  }
0x13c: {  	v13 =	vsel vm2, v14, v13;
	v14 =	vsel vm2, v17, v16;
	v16 =	vperm.xlane v24, v4;
	v17, v24, _ =	vpop (xrf1)  }
0x13d: {  	s23 =	simm.s32 $0x300;
	v15 =	vperm.xlane v15, v4;
	v11 =	vsel vm1, v19, v11;
	v19, v27, _ =	vpop (xrf1)  }
0x13e: {  	vm1 =	vge.f32 v22, v12;
	(xrf1) =	vsort.dscd.msk.f32 $0xffff, v10, v11;
	v11 =	vld [tilespmem:s23+$0xB0];
	v25 =	vperm.xlane v25, v4;
	v28, v29, _ =	vpop (xrf1)  }
0x13f: {  	v15 =	vsel vm1, v23, v15;
	v17 =	vperm.xlane v17, v4;
	v10 =	vperm.xlane v19, v4  }
0x140: {  	v12 =	vsel vm1, v22, v12;
	v19 =	vperm.xlane v27, v4;
	v23 =	vperm.xlane v28, v4;
	v27, v28, _ =	vpop (xrf1)  }
0x141: {  	v31 =	vld [tilespmem:s23+$0xFFFFFF30];
	v22 =	vperm.xlane v24, v4;
	v24 =	vperm.xlane v29, v4;
	v29, v30, _ =	vpop (xrf1);
	(xrf1) =	vsort.dscd.msk.f32 $0xffff, v12, v15  }
0x142: {  	vm1 =	vge.f32 v20, v16;
	vm2 =	vge.f32 v18, v10;
	(xrf1) =	vsort.dscd.msk.f32 $0xffff, v13, v14  }
0x143: {  	v12 =	vsel vm1, v20, v16;
	v15, v16, _ =	vpop (xrf1);
	v13 =	vsel vm1, v21, v25;
	(xrf1) =	vsort.dscd.msk.f32 $0xffff, v11, v3  }
0x144: {  	v10 =	vsel vm2, v18, v10;
	v18 =	vsel vm2, v26, v19;
	v14, v20, _ =	vpop (xrf1);
	(xrf1) =	vsort.dscd.msk.f32 $0xffff, v12, v13  }
0x145: {  	v11 =	vld [tilespmem:s23+$0xFFFFFFB0];
	vm1 =	vge.f32 v14, v17;
	(xrf1) =	vsort.dscd.msk.f32 $0xffff, v10, v18  }
0x146: {  	v13 =	vsel vm1, v14, v17;
	v17 =	vsel vm1, v20, v22;
	(xrf1) =	vsort.dscd.msk.f32 $0xffff, v31, v3  }
0x147: {  	vm3 =	vge.f32 v29, v23;
	v10 =	vld [tilespmem:s23+$0xFFFFFFA0];
	v14 =	vperm.xlane v27, v4;
	(xrf1) =	vsort.dscd.msk.f32 $0xffff, v13, v17  }
0x148: {  	v19 =	vsel vm3, v29, v23;
	v12 =	vsel vm3, v30, v24;
	v18 =	vld [tilespmem:s23+$0xA0];
	v20 =	vperm.xlane v28, v4  }
0x149: {  	v13 =	vld [tilespmem:s23+$0x80];
	vm1 =	vge.f32 v15, v14;
	(xrf1) =	vsort.dscd.msk.f32 $0xffff, v19, v12  }
0x14a: {  	v12 =	vsel vm1, v15, v14;
	v14 =	vsel vm1, v16, v20;
	(xrf1) =	vsort.dscd.msk.f32 $0xffff, v11, v3;
	v11 =	vld [tilespmem:s23+$0xFFFFFF20]  }
0x14b: {  	v15 =	vld [tilespmem:s23+$0x90];
	(xrf1) =	vsort.dscd.msk.f32 $0xffff, v12, v14  }
0x14c: {  	v12 =	vld [tilespmem:s23+$0xFFFFFF00];
	(xrf1) =	vsort.dscd.msk.f32 $0xffff, v10, v2  }
0x14d: {  	v10 =	vld [tilespmem:s23+$0xFFFFFF90];
	(xrf1) =	vsort.dscd.msk.f32 $0xffff, v18, v2  }
0x14e: {  	v16, v17, _ =	vpop (xrf1);
	v14 =	vld [tilespmem:s23+$0xFFFFFF10];
	(xrf1) =	vsort.dscd.msk.f32 $0xffff, v13, v0  }
0x14f: {  	v13 =	vld [tilespmem:s23+$0x30];
	(xrf1) =	vsort.dscd.msk.f32 $0xffff, v11, v2;
	v18, v19, _ =	vpop (xrf1)  }
0x150: {  	v11 =	vld [tilespmem:s23+$0x10];
	(xrf1) =	vsort.dscd.msk.f32 $0xffff, v15, v1;
	v20, v21, _ =	vpop (xrf1)  }
0x151: {  	(xrf1) =	vsort.dscd.msk.f32 $0xffff, v12, v0;
	v19 =	vperm.xlane v19, v4;
	v12, v22, _ =	vpop (xrf1)  }
0x152: {  	v15 =	vld [tilespmem:s23+$0x20];
	(xrf1) =	vsort.dscd.msk.f32 $0xffff, v10, v1;
	v10 =	vperm.xlane v18, v4;
	v23, v24, _ =	vpop (xrf1)  }
0x153: {  	(xrf1) =	vsort.dscd.msk.f32 $0xffff, v14, v1;
	v14 =	vperm.xlane v21, v4;
	v21, v25, _ =	vpop (xrf1)  }
0x154: {  	v18 =	vld [tilespmem:s23+$0x0];
	v20 =	vperm.xlane v20, v4;
	(xrf1) =	vsort.dscd.msk.f32 $0xffff, v13, v3;
	v26, v27, _ =	vpop (xrf1);
	vm1 =	vge.f32 v21, v10  }
0x155: {  	(xrf1) =	vsort.dscd.msk.f32 $0xffff, v11, v1;
	v11 =	vsel vm1, v25, v19;
	v19, v25, _ =	vpop (xrf1)  }
0x156: {  	v13 =	vld [tilespmem:s23+$0xFFFFFF80];
	v10 =	vsel vm1, v21, v10;
	vm1 =	vge.f32 v19, v20  }
0x157: {  	(xrf1) =	vsort.dscd.msk.f32 $0xffff, v15, v2;
	v19 =	vsel vm1, v19, v20;
	v14 =	vsel vm1, v25, v14  }
0x158: {  	v15, v21, _ =	vpop (xrf1);
	(xrf1) =	vsort.dscd.msk.f32 $0xffff, v10, v11  }
0x159: {  	v17 =	vperm.xlane v17, v4;
	(xrf1) =	vsort.dscd.msk.f32 $0xffff, v18, v0;
	v15 =	vperm.xlane v15, v4;
	v10, v11, _ =	vpop (xrf1)  }
0x15a: {  	v16 =	vperm.xlane v16, v4;
	v21 =	vperm.xlane v21, v4;
	(xrf1) =	vsort.dscd.msk.f32 $0xffff, v19, v14;
	v14, v18, _ =	vpop (xrf1)  }
0x15b: {  	v12 =	vperm.xlane v12, v4;
	(xrf1) =	vsort.dscd.msk.f32 $0xffff, v13, v0;
	v13, v19, _ =	vpop (xrf1);
	vm2 =	vge.f32 v14, v15  }
0x15c: {  	v27 =	vperm.xlane v27, v4;
	v20 =	vperm.xlane v22, v4;
	v22, v25, _ =	vpop (xrf1);
	v18 =	vsel vm2, v18, v21  }
0x15d: {  	vm1 =	vge.f32 v23, v16;
	v10 =	vperm.xlane v10, v4;
	v14 =	vsel vm2, v14, v15;
	v28, v29, _ =	vpop (xrf1)  }
0x15e: {  	v16 =	vsel vm1, v23, v16;
	v11 =	vperm.xlane v11, v4;
	v15 =	vperm.xlane v26, v4;
	v26, v30, _ =	vpop (xrf1)  }
0x15f: {  	vm3 =	vge.f32 v13, v10;
	vm4 =	vge.f32 v22, v12;
	(xrf1) =	vsort.dscd.msk.f32 $0xffff, v14, v18;
	v21, v31, _ =	vpop (xrf1)  }
0x160: {  	v10 =	vsel vm3, v13, v10;
	v11 =	vsel vm3, v19, v11;
	v13 =	vsel vm1, v24, v17;
	v14, v18, _ =	vpop (xrf1)  }
0x161: {  	s24 =	simm.s32 $0x500;
	v12 =	vsel vm4, v22, v12;
	v20 =	vsel vm4, v25, v20;
	vm1 =	vge.f32 v26, v15;
	v17, v19, _ =	vpop (xrf1)  }
0x162: {  	v25 =	vld [tilespmem:s24+$0xB0];
	v21 =	vperm.xlane v21, v4;
	v22 =	vperm.xlane v31, v4;
	v27 =	vsel vm1, v30, v27;
	v23, v24, _ =	vpop (xrf1)  }
0x163: {  	v15 =	vsel vm1, v26, v15;
	(xrf1) =	vsort.dscd.msk.f32 $0xffff, v16, v13;
	v17 =	vperm.xlane v17, v4;
	v13, v16, _ =	vpop (xrf1)  }
0x164: {  	(xrf1) =	vsort.dscd.msk.f32 $0xffff, v12, v20;
	vm1 =	vge.f32 v28, v21;
	v12 =	vperm.xlane v23, v4;
	v20, v23, _ =	vpop (xrf1)  }
0x165: {  	v56 =	vld [tilespmem:s24+$0xFFFFFF30];
	v24 =	vperm.xlane v24, v4;
	(xrf1) =	vsort.dscd.msk.f32 $0xffff, v15, v27;
	v15 =	vsel vm1, v28, v21;
	v30, v31, _ =	vpop (xrf1)  }
0x166: {  	v13 =	vperm.xlane v13, v4;
	v16 =	vperm.xlane v16, v4;
	(xrf1) =	vsort.dscd.msk.f32 $0xffff, v10, v11;
	v26, v53, _ =	vpop (xrf1)  }
0x167: {  	v10 =	vsel vm1, v29, v22;
	vm2 =	vge.f32 v14, v12;
	(xrf1) =	vsort.dscd.msk.f32 $0xffff, v25, v3;
	v55, v54, _ =	vpop (xrf1)  }
0x168: {  	v12 =	vsel vm2, v14, v12;
	v18 =	vsel vm2, v18, v24;
	(xrf1) =	vsort.dscd.msk.f32 $0xffff, v15, v10;
	v21, v27, _ =	vpop (xrf1)  }
0x169: {  	v19 =	vperm.xlane v19, v4;
	vm3 =	vge.f32 v30, v13;
	v14 =	vld [tilespmem:s24+$0xFFFFFFB0];
	(xrf1) =	vsort.dscd.msk.f32 $0xffff, v12, v18;
	v11, v22, _ =	vpop (xrf1)  }
0x16a: {  	v10 =	vsel vm3, v31, v16;
	(xrf1) =	vsort.dscd.msk.f32 $0xffff, v56, v3;
	vm1 =	vge.f32 v11, v17  }
0x16b: {  	v11 =	vsel vm1, v11, v17;
	v12 =	vsel vm1, v22, v19;
	v17 =	vperm.xlane v20, v4  }
0x16c: {  	v13 =	vsel vm3, v30, v13;
	v15 =	vperm.xlane v21, v5;
	(xrf1) =	vsort.dscd.msk.f32 $0xffff, v11, v12  }
0x16d: {  	v16 =	vld [tilespmem:s24+$0xFFFFFFA0];
	v12 =	vperm.xlane v23, v4;
	(xrf1) =	vsort.dscd.msk.f32 $0xffff, v13, v10;
	vm1 =	vge.f32 v55, v17  }
0x16e: {  	v11 =	vld [tilespmem:s24+$0xA0];
	(xrf1) =	vsort.dscd.msk.f32 $0xffff, v14, v3;
	v14 =	vsel vm1, v55, v17  }
0x16f: {  	v10 =	vsel vm0, v26, v15;
	v13 =	vld [tilespmem:s24+$0x80];
	v12 =	vsel vm1, v54, v12  }
0x170: {  	v15 =	vperm.xlane v10, v6;
	v17 =	vld [tilespmem:s24+$0xFFFFFF20]  }
0x171: {  	v18 =	vld [tilespmem:s24+$0x90];
	v19, v20, _ =	vpop (xrf1);
	(xrf1) =	vsort.dscd.msk.f32 $0xffff, v14, v12  }
0x172: {  	v10 =	vsub.f32 v10, v15;
	v15 =	vld [tilespmem:s24+$0xFFFFFF00];
	(xrf1) =	vsort.dscd.msk.f32 $0xffff, v16, v2;
	v12, v14, _ =	vpop (xrf1)  }
0x173: {  	v16 =	vld [tilespmem:s24+$0xFFFFFF90];
	(xrf1) =	vsort.dscd.msk.f32 $0xffff, v11, v2;
	v12 =	vperm.xlane v12, v5  }
0x174: {  	v22 =	vld [tilespmem:s24+$0xFFFFFF10];
	v10 =	vmul.f32 $1.442695020e+00, v10;
	(xrf1) =	vsort.dscd.msk.f32 $0xffff, v13, v0;
	v11, v21, _ =	vpop (xrf1)  }
0x175: {  	v13 =	vld [tilespmem:s24+$0x30];
	(xrf1) =	vsort.dscd.msk.f32 $0xffff, v17, v2;
	v12 =	vsel vm0, v19, v12;
	v19, v23, _ =	vpop (xrf1)  }
0x176: {  	v17 =	vld [tilespmem:s24+$0x10];
	v14 =	vperm.xlane v14, v5;
	(erf) = vpow2.f32 v10;
	(xrf1) =	vsort.dscd.msk.f32 $0xffff, v18, v1;
	v24, v25, _ =	vpop (xrf1)  }
0x177: {  	v18 =	vperm.xlane v21, v4;
	v10 =	vperm.xlane v12, v6;
	(xrf1) =	vsort.dscd.msk.f32 $0xffff, v15, v0;
	v26, v28, _ =	vpop (xrf1)  }
0x178: {  	v21 =	vld [tilespmem:s24+$0x20];
	v15 =	vperm.xlane v11, v4;
	v11 =	vperm.xlane v19, v4;
	(xrf1) =	vsort.dscd.msk.f32 $0xffff, v16, v1;
	v30, v31, _ =	vpop (xrf1)  }
0x179: {  	v29 =	vsub.f32 v12, v10;
	v12 =	vperm.xlane v25, v4;
	(xrf1) =	vsort.dscd.msk.f32 $0xffff, v22, v1;
	v19, v25, _ =	vpop (xrf1)  }
0x17a: {  	v23 =	vperm.xlane v23, v4;
	v22 =	vperm.xlane v24, v4;
	(xrf1) =	vsort.dscd.msk.f32 $0xffff, v13, v3;
	v24, v57, _ =	vpop (xrf1)  }
0x17b: {  	v16 =	vld [tilespmem:s24+$0x0];
	v10 =	vsel vm0, v20, v14;
	vm1 =	vge.f32 v19, v11;
	(xrf1) =	vsort.dscd.msk.f32 $0xffff, v17, v1;
	v14, v20, _ =	vpop (xrf1)  }
0x17c: {  	v23 =	vsel vm1, v25, v23;
	v11 =	vsel vm1, v19, v11;
	vm1 =	vge.f32 v14, v22  }
0x17d: {  	s25 =	simm.s32 $0x201;
	v13 =	vld [tilespmem:s24+$0xFFFFFF80];
	(xrf1) =	vsort.dscd.msk.f32 $0xffff, v21, v2;
	v21 =	vperm.xlane v27, v5;
	v20 =	vsel vm1, v20, v12  }
0x17e: {  	s26 =	simm.s32 $0x200;
	v17 =	vmov s25;
	v19, v25, _ =	vpop (xrf1);
	v14 =	vsel vm1, v14, v22  }
0x17f: {  	v17 =	vsel vm0, s26, v17;
	(xrf1) =	vsort.dscd.msk.f32 $0xffff, v11, v23;
	v27, v58, _ =	vpop (xrf1);
	v19 =	vperm.xlane v19, v4  }
0x180: {  	v24 =	vperm.xlane v24, v4;
	v11 =	vshll.u32 v17, $0x3;
	(xrf1) =	vsort.dscd.msk.f32 $0xffff, v16, v0;
	v12 =	vpop (erf)  }
0x181: {  	v23 =	vperm.xlane v28, v4;
	v17 =	vand.u32 $0x7D, v17;
	v25 =	vperm.xlane v25, v4;
	(xrf1) =	vsort.dscd.msk.f32 $0xffff, v14, v20;
	v14, v20, _ =	vpop (xrf1)  }
0x182: {  	v16 =	vand.u32 $0x7FFFFC00, v11;
	v11 =	vsel vm0, v53, v21;
	(xrf1) =	vsort.dscd.msk.f32 $0xffff, v13, v0;
	v13, v21, _ =	vpop (xrf1);
	vm2 =	vge.f32 v14, v19  }
0x183: {  	v22 =	vperm.xlane v26, v4;
	v26 =	vperm.xlane v27, v4;
	v27, v28, _ =	vpop (xrf1);
	v20 =	vsel vm2, v20, v25  }
0x184: {  	vm1 =	vge.f32 v30, v15;
	v16 =	vor.u32 v16, v17;
	v14 =	vsel vm2, v14, v19;
	v17, v19, _ =	vpop (xrf1)  }
0x185: {  	v59 =	vperm.xlane v58, v4;
	v18 =	vsel vm1, v31, v18;
	v15 =	vsel vm1, v30, v15;
	v61, v60, _ =	vpop (xrf1)  }
0x186: {  	vm3 =	vge.f32 v13, v26;
	vm15 =	vge.f32 v27, v22;
	(xrf1) =	vsort.dscd.msk.f32 $0xffff, v14, v20;
	v63, v62, _ =	vpop (xrf1)  }
0x187: {  	v29 =	vmul.f32 $1.442695020e+00, v29;
	v25 =	vperm.xlane v57, v4;
	v23 =	vsel vm15, v28, v23;
	(xrf1) =	vsort.dscd.msk.f32 $0xffff, v15, v18;
	v14, v20, _ =	vpop (xrf1)  }
0x188: {  	s13 =	simm.s32 $0x700;
	(xrf2) =	vadd.scan.msk.f32 $0xffff, v12;
	v13 =	vsel vm3, v13, v26;
	v21 =	vsel vm3, v21, v59;
	v22 =	vsel vm15, v27, v22;
	v27, v30, _ =	vpop (xrf1)  }
0x189: {  	(erf) = vpow2.f32 v29;
	v29 =	vld [tilespmem:s13+$0xB0];
	vm1 =	vge.f32 v61, v24;
	v15 =	vperm.xlane v63, v4;
	(xrf1) =	vsort.dscd.msk.f32 $0xffff, v22, v23;
	v18, v26, _ =	vpop (xrf1)  }
0x18a: {  	v22 =	vperm.xlane v62, v4;
	v25 =	vsel vm1, v60, v25;
	v24 =	vsel vm1, v61, v24;
	v23, v28, _ =	vpop (xrf1)  }
0x18b: {  	(xrf1) =	vsort.dscd.msk.f32 $0xffff, v24, v25;
	v27 =	vperm.xlane v27, v4;
	v30 =	vperm.xlane v30, v4;
	v31, v40, _ =	vpop (xrf1)  }
0x18c: {  	v48 =	vld [tilespmem:s13+$0xFFFFFF30];
	vm1 =	vge.f32 v17, v15;
	(xrf1) =	vsort.dscd.msk.f32 $0xffff, v13, v21;
	v18 =	vperm.xlane v18, v4;
	v41, v42, _ =	vpop (xrf1)  }
0x18d: {  	v26 =	vperm.xlane v26, v4;
	v13 =	vsel vm1, v17, v15;
	v17 =	vsel vm1, v19, v22;
	v43, v46, _ =	vpop (xrf1)  }
0x18e: {  	s28 =	simm.s32 $0x203;
	v23 =	vperm.xlane v23, v4;
	vm2 =	vge.f32 v14, v18;
	(xrf1) =	vsort.dscd.msk.f32 $0xffff, v29, v3;
	v24, v25, _ =	vpop (xrf1)  }
0x18f: {  	v14 =	vsel vm2, v14, v18;
	v18 =	vsel vm2, v20, v26;
	(xrf1) =	vsort.dscd.msk.f32 $0xffff, v13, v17;
	v13 =	vmov s28;
	v15, v21, _ =	vpop (xrf1)  }
0x190: {  	s29 =	simm.s32 $0x202;
	v17 =	vperm.xlane v28, v4;
	v26 =	vperm.xlane v31, v4;
	(xrf1) =	vsort.dscd.msk.f32 $0xffff, v14, v18;
	v19, v22, _ =	vpop (xrf1)  }
0x191: {  	v20 =	vld [tilespmem:s13+$0xFFFFFFB0];
	v28 =	vperm.xlane v40, v4;
	v18 =	vsel vm0, s29, v13;
	(xrf1) =	vsort.dscd.msk.f32 $0xffff, v48, v3;
	vm1 =	vge.f32 v19, v27  }
0x192: {  	v13 =	vpop (erf);
	v14 =	vsel vm1, v19, v27;
	v19 =	vsel vm1, v22, v30;
	vm1 =	vge.f32 v41, v23  }
0x193: {  	v15 =	vperm.xlane v15, v5;
	v22 =	vshll.u32 v18, $0x3;
	v27, _, _ =	vpop (xrf2);
	(xrf1) =	vsort.dscd.msk.f32 $0xffff, v14, v19;
	v19 =	vsel vm1, v41, v23;
	v23 =	vld [tilespmem:s13+$0xFFFFFFA0]  }
0x194: {  	(xrf2) =	vadd.scan.msk.f32 $0xffff, v13;
	v17 =	vsel vm1, v42, v17;
	v14 =	vand.u32 $0x7FFFFC00, v22;
	v22 =	vld [tilespmem:s13+$0xA0];
	v29, v30, _ =	vpop (xrf1);
	vm1 =	vge.f32 v24, v26  }
0x195: {  	v31 =	vld [tilespmem:s13+$0x80];
	(xrf1) =	vsort.dscd.msk.f32 $0xffff, v19, v17;
	v19 =	vsel vm1, v24, v26;
	v24 =	vsel vm0, v43, v15;
	v26, v49, _ =	vpop (xrf1)  }
0x196: {  	v15 =	vand.u32 $0x7F, v18;
	v18 =	vsel vm1, v25, v28;
	v26 =	vperm.xlane v26, v5;
	(xrf1) =	vsort.dscd.msk.f32 $0xffff, v20, v3;
	v20 =	vld [tilespmem:s13+$0xFFFFFF20]  }
0x197: {  	(xrf1) =	vsort.dscd.msk.f32 $0xffff, v19, v18  }
0x198: {  	s30 =	simm.s32 $0x205;
	v35 =	vperm.xlane v24, v6;
	v29 =	vsel vm0, v29, v26;
	(xrf1) =	vsort.dscd.msk.f32 $0xffff, v23, v2  }
0x199: {  	s31 =	simm.s32 $0x204;
	v51 =	vld [tilespmem:s13+$0x90];
	v28, v25, _ =	vpop (xrf1);
	v18 =	vmov s30;
	v23 =	vperm.xlane v29, v6;
	(xrf1) =	vsort.dscd.msk.f32 $0xffff, v22, v2  }
0x19a: {  	v52 =	vld [tilespmem:s13+$0xFFFFFF00];
	v17 =	vperm.xlane v27, v7;
	v19 =	vsel vm0, s31, v18;
	v24 =	vsub.f32 v24, v35;
	(xrf1) =	vsort.dscd.msk.f32 $0xffff, v31, v0  }
0x19b: {  	v54 =	vld [tilespmem:s13+$0xFFFFFF90];
	v27 =	vperm.xlane v27, v8;
	v26 =	vperm.xlane v28, v4;
	v22, v28, _ =	vpop (xrf1);
	(xrf1) =	vsort.dscd.msk.f32 $0xffff, v20, v2;
	v20 =	vshll.u32 v19, $0x3  }
0x19c: {  	v18 =	vld [tilespmem:s13+$0xFFFFFF10];
	v61 =	vperm.xlane v22, v4;
	v22 =	vand.u32 $0x7FFFFC00, v20;
	v20 =	vmul.f32 $1.442695020e+00, v24  }
0x19d: {  	v56 =	vld [tilespmem:s13+$0x30];
	v53 =	vperm.xlane v49, v5;
	v25 =	vperm.xlane v25, v4;
	v57 =	vsub.f32 v29, v23;
	v23, v29, _ =	vpop (xrf1)  }
0x19e: {  	s12 =	simm.s32 $0x207;
	v58 =	vld [tilespmem:s13+$0x10];
	v27 =	vsub.f32 v27, v17;
	(xrf1) =	vsort.dscd.msk.f32 $0xffff, v51, v1;
	v24 =	vperm.xlane v28, v4;
	v60, v59, _ =	vpop (xrf1);
	(erf) = vpow2.f32 v20  }
0x19f: {  	s15 =	simm.s32 $0x206;
	v50 =	vmov s12;
	v62 =	vld [tilespmem:s13+$0x20];
	v29 =	vperm.xlane v29, v4;
	(xrf1) =	vsort.dscd.msk.f32 $0xffff, v52, v0;
	v38 =	vperm.xlane v23, v4;
	v31, v32, _ =	vpop (xrf1)  }
0x1a0: {  	v33 =	vsel vm0, s15, v50;
	v23 =	vsel vm0, v17, v27;
	v17 =	vsel vm0, v30, v53;
	(xrf1) =	vsort.dscd.msk.f32 $0xffff, v54, v1;
	v28, v63, _ =	vpop (xrf1)  }
0x1a1: {  	v55 =	vshll.u32 v33, $0x3;
	v35 =	vperm.xlane v60, v4;
	v30 =	vperm.xlane v59, v4;
	(xrf1) =	vsort.dscd.msk.f32 $0xffff, v18, v1;
	v37, v34, _ =	vpop (xrf1)  }
0x1a2: {  	v39 =	vld [tilespmem:s13+$0x0];
	v27 =	vmul.f32 $1.442695020e+00, v57;
	v18 =	vperm.xlane v21, v5;
	vm1 =	vge.f32 v28, v61;
	(xrf1) =	vsort.dscd.msk.f32 $0xffff, v56, v3;
	v43, v41, _ =	vpop (xrf1)  }
0x1a3: {  	v20 =	vand.u32 $0x7FFFFC00, v55;
	v42 =	vsel vm1, v63, v24;
	v24, _, _ =	vpop (xrf2);
	(xrf1) =	vsort.dscd.msk.f32 $0xffff, v58, v1;
	v45 =	vsel vm1, v28, v61  }
0x1a4: {  	s14 =	simm.s32 $0x6;
	v36 =	vld [tilespmem:s13+$0xFFFFFF80];
	v21 =	vand.u32 $0x7F, v33;
	v18 =	vsel vm0, v46, v18;
	vm1 =	vge.f32 v43, v38;
	v44, v40, _ =	vpop (xrf1);
	(xrf1) =	vsort.dscd.msk.f32 $0xffff, v62, v2  }
.LBB2_4:
0x1a5: {  	v48 =	vsel vm1, v43, v38  }
0x1a6: {  	s14 =	sadd.s32 $0x2, s14;
	v28, v33, _ =	vpop (xrf1);
	v46 =	vsel vm1, v41, v29;
	(xrf1) =	vsort.dscd.msk.f32 $0xffff, v45, v42;
	v19 =	vand.u32 $0x7D, v19;
	s12 =	sadd.s32 $0x4, s12;
	vm1 =	vge.f32 v31, v26  }
0x1a7: {  	v40 =	vperm.xlane v40, v4;
	p0 =	slt.u32 s14, $0xFE;
	(xrf1) =	vsort.dscd.msk.f32 $0xffff, v39, v0;
	s15 =	sadd.s32 $0xFFFFFFFE, s12;
	v39 =	vperm.xlane v44, v4;
	s16 =	sadd.s32 $0xFFFFFFFF, s12;
	v47 =	vmov s12;
	v42 =	vpop (erf)  }
0x1a8: {  	v37 =	vperm.xlane v37, v4;
	v44 =	vor.u32 v22, v19;
	v43 =	vmov s15;
	(xrf1) =	vsort.dscd.msk.f32 $0xffff, v48, v46;
	v29, v38, _ =	vpop (xrf1)  }
0x1a9: {  	v22 =	vperm.xlane v28, v4;
	v28 =	vsel vm0, s16, v47;
	(xrf1) =	vsort.dscd.msk.f32 $0xffff, v36, v0;
	v36, v45, _ =	vpop (xrf1);
	vm2 =	vge.f32 v29, v39  }
0x1aa: {  	v19, v41, _ =	vpop (xrf1);
	v39 =	vsel vm2, v29, v39;
	v29 =	vor.u32 v9, v16;
	v16 =	vperm.xlane v24, v8  }
0x1ab: {  	v33 =	vperm.xlane v33, v4;
	vm3 =	vge.f32 v36, v22;
	v24 =	vperm.xlane v24, v7;
	v46, v47, _ =	vpop (xrf1)  }
0x1ac: {  	s15 =	sadd.s32 $0xFFFFFFFD, s12;
	v51 =	vsel vm2, v38, v40;
	vm4 =	vge.f32 v19, v35;
	v48, v49, _ =	vpop (xrf1)  }
0x1ad: {  	v34 =	vperm.xlane v34, v4;
	v35 =	vsel vm4, v19, v35;
	v19 =	vsel vm0, s15, v43;
	v40, v50, _ =	vpop (xrf1);
	(xrf1) =	vsort.dscd.msk.f32 $0xffff, v39, v51  }
0x1ae: {  	v25 =	vsel vm1, v32, v25;
	v22 =	vsel vm3, v36, v22;
	v36 =	vsel vm3, v45, v33;
	v38, v39, _ =	vpop (xrf1)  }
0x1af: {  	v45 =	vsel vm1, v31, v26;
	v32 =	vperm.xlane v40, v4;
	v33, v40, _ =	vpop (xrf1);
	(xrf2) =	vadd.scan.msk.f32 $0xffff, v42;
	(erf) = vpow2.f32 v27  }
0x1b0: {  	v31 =	vsel vm4, v41, v30;
	v30 =	vshll.u32 v28, $0x3;
	v27 =	vperm.xlane v50, v4;
	v41, v43, _ =	vpop (xrf1);
	(xrf1) =	vsort.dscd.msk.f32 $0xffff, v45, v25  }
0x1b1: {  	v25 =	vperm.xlane v33, v4;
	v26, v33, _ =	vpop (xrf1)  }
0x1b2: {  	vm1 =	vge.f32 v48, v37;
	(xrf1) =	vsort.dscd.msk.f32 $0xffff, v35, v31;
	(erf) = vrcp.f32 v23;
	v50 =	vperm.xlane v33, v4  }
0x1b3: {  	s13 =	sadd.s32 $0x200, s13;
	v34 =	vsel vm1, v49, v34;
	v23 =	vperm.xlane v41, v4;
	v31 =	vperm.xlane v43, v4;
	v35, v41, _ =	vpop (xrf1)  }
0x1b4: {  	v16 =	vsub.f32 v16, v24;
	v37 =	vsel vm1, v48, v37;
	v26 =	vperm.xlane v26, v4;
	v43 =	vld [tilespmem:s13+$0xB0];
	v45, v48, _ =	vpop (xrf1)  }
0x1b5: {  	v40 =	vperm.xlane v40, v4;
	vm1 =	vge.f32 v46, v32;
	v49 =	vld [tilespmem:s13+$0xFFFFFFB0];
	v51, v33, _ =	vpop (xrf1)  }
0x1b6: {  	v32 =	vsel vm1, v46, v32;
	vm2 =	vge.f32 v38, v23;
	vm3 =	vge.f32 v45, v26;
	v52 =	vld [tilespmem:s13+$0xA0];
	v46, v53, _ =	vpop (xrf1)  }
0x1b7: {  	v55 =	vshll.u32 v19, $0x3;
	v16 =	vsel vm0, v24, v16;
	v48 =	vsel vm3, v48, v50;
	v54 =	vld [tilespmem:s13+$0xFFFFFF30];
	(xrf1) =	vsort.dscd.msk.f32 $0xffff, v37, v34;
	v37, v50, _ =	vpop (xrf1)  }
0x1b8: {  	v24 =	vsel vm3, v45, v26;
	v26 =	vsel vm1, v47, v27;
	v27, v45, _ =	vpop (xrf1);
	(xrf1) =	vsort.dscd.msk.f32 $0xffff, v22, v36;
	(erf) = vrcp.f32 v16  }
0x1b9: {  	v23 =	vsel vm2, v38, v23;
	v22 =	vand.u32 $0x7FFFFC00, v55;
	v36 =	vld [tilespmem:s13+$0xFFFFFFA0];
	(xrf1) =	vsort.dscd.msk.f32 $0xffff, v43, v3;
	vm1 =	vge.f32 v27, v25;
	v34 =	vpop (erf)  }
0x1ba: {  	v43 =	vsel vm2, v39, v31;
	v25 =	vsel vm1, v27, v25;
	v27 =	vperm.xlane v35, v4;
	v35, _, _ =	vpop (xrf2);
	(xrf2) =	vadd.scan.msk.f32 $0xffff, v34  }
0x1bb: {  	v16 =	vmov v44;
	v39 =	vperm.xlane v41, v4;
	v38 =	vsel vm1, v45, v40;
	(xrf1) =	vsort.dscd.msk.f32 $0xffff, v32, v26;
	v26 =	vpop (erf)  }
0x1bc: {  	v40 =	vperm.xlane v35, v7;
	v32 =	vld [tilespmem:s13+$0x90];
	(xrf1) =	vsort.dscd.msk.f32 $0xffff, v23, v43;
	v23 =	vperm.xlane v37, v5;
	v31, v37, _ =	vpop (xrf1)  }
0x1bd: {  	v41 =	vmul.f32 v26, v12;
	v43 =	vor.u32 v14, v15;
	v12 =	vmovc v42;
	(xrf1) =	vsort.dscd.msk.f32 $0xffff, v54, v3  }
0x1be: {  	vm1 =	vge.f32 v46, v27;
	v14 =	vmovc v20;
	v42 =	vld [tilespmem:s13+$0x80];
	(xrf1) =	vsort.dscd.msk.f32 $0xffff, v25, v38;
	v38 =	vor.u32 v9, v43  }
0x1bf: {  	v15 =	vmov v21;
	v27 =	vsel vm1, v46, v27;
	v23 =	vsel vm0, v51, v23;
	v20 =	vld [tilespmem:s13+$0x30];
	(xrf1) =	vsort.dscd.msk.f32 $0xffff, v24, v48;
	v24, v26, _ =	vpop (xrf1)  }
0x1c0: {  	v39 =	vsel vm1, v53, v39;
	v44 =	vperm.xlane v23, v6;
	v21 =	vld [tilespmem:s13+$0xFFFFFF00];
	v43, v25, _ =	vpop (xrf1);
	v24 =	vperm.xlane v24, v5  }
0x1c1: {  	v46 =	vperm.xlane v26, v5;
	v45 =	vld [tilespmem:s13+$0xFFFFFF90];
	(xrf1) =	vsort.dscd.msk.f32 $0xffff, v49, v3;
	v25 =	vperm.xlane v25, v4;
	v47 =	vpop (erf)  }
0x1c2: {  	v26 =	vperm.xlane v43, v4;
	v48 =	vld [tilespmem:s13+$0xFFFFFF20];
	v31 =	vsel vm0, v31, v24;
	v49 =	vmul.f32 v47, v13;
	v13 =	vmovc v34  }
0x1c3: {  	v23 =	vsub.f32 v23, v44;
	v34 =	vld [tilespmem:s13+$0xFFFFFF10];
	(xrf1) =	vsort.dscd.msk.f32 $0xffff, v27, v39;
	v27 =	vperm.xlane v31, v6  }
0x1c4: {  	v35 =	vperm.xlane v35, v8;
	v44 =	vld [tilespmem:s13+$0x10];
	(xrf1) =	vsort.dscd.msk.f32 $0xffff, v36, v2;
	v24, _, _ =	vpop (xrf2);
	[tilespmem:v38+s9+$0x0] =	vst.idx.msk $0xffff, v49  }
0x1c5: {  	v23 =	vmul.f32 $1.442695020e+00, v23;
	v47 =	vld [tilespmem:s13+$0x20];
	(xrf1) =	vsort.dscd.msk.f32 $0xffff, v52, v2;
	v39, v43, _ =	vpop (xrf1);
	v27 =	vsub.f32 v31, v27;
	[tilespmem:v38+s10+$0x0] =	vst.idx.msk $0xffff, v10  }
0x1c6: {  	v35 =	vsub.f32 v35, v40;
	v10 =	vmov v17;
	v36 =	vld [tilespmem:s13+$0xFFFFFF80];
	(xrf1) =	vsort.dscd.msk.f32 $0xffff, v42, v0;
	v31, v38, _ =	vpop (xrf1);
	[tilespmem:v29+s9+$0x0] =	vst.idx.msk $0xffff, v41  }
0x1c7: {  	(xrf1) =	vsort.dscd.msk.f32 $0xffff, v48, v2;
	v41, v48, _ =	vpop (xrf1);
	v27 =	vmul.f32 $1.442695020e+00, v27;
	(erf) = vpow2.f32 v23;
	[tilespmem:v29+s10+$0x0] =	vst.idx.msk $0xffff, v11  }
0x1c8: {  	v49 =	vperm.xlane v39, v4;
	v29 =	vperm.xlane v38, v4;
	v11 =	vmovc v18;
	(xrf1) =	vsort.dscd.msk.f32 $0xffff, v32, v1  }
0x1c9: {  	v38 =	vperm.xlane v31, v4;
	v23 =	vsel vm0, v40, v35;
	v39 =	vld [tilespmem:s13+$0x0];
	(xrf1) =	vsort.dscd.msk.f32 $0xffff, v21, v0;
	v31, v32, _ =	vpop (xrf1)  }
.Ltmp1:
0x1ca: {  	v17 =	vsel vm0, v37, v46;
	v18 =	vperm.xlane v43, v4;
	(xrf1) =	vsort.dscd.msk.f32 $0xffff, v45, v1;
	v21, v40, _ =	vpop (xrf1);
	(pc) =	sbr.rel @p0 .LBB2_4-.Ltmp1, $4  }
0x1cb: {  	v46 =	vperm.xlane v50, v5;
	(xrf1) =	vsort.dscd.msk.f32 $0xffff, v34, v1;
	v37, v34, _ =	vpop (xrf1);
	vm1 =	vge.f32 v21, v49  }
0x1cc: {  	v35 =	vperm.xlane v41, v4;
	(xrf1) =	vsort.dscd.msk.f32 $0xffff, v20, v3;
	v42 =	vsel vm1, v40, v18;
	v43, v41, _ =	vpop (xrf1)  }
0x1cd: {  	v45 =	vsel vm1, v21, v49;
	v20 =	vand.u32 $0x7FFFFC00, v30;
	(xrf1) =	vsort.dscd.msk.f32 $0xffff, v44, v1;
	vm1 =	vge.f32 v43, v38;
	v44, v40, _ =	vpop (xrf1)  }
0x1ce: {  	v30 =	vperm.xlane v48, v4;
	v18 =	vsel vm0, v33, v46;
	v21 =	vand.u32 $0x7F, v28;
	(xrf1) =	vsort.dscd.msk.f32 $0xffff, v47, v2  }
0x1cf: {  	v38 =	vsel vm1, v43, v38  }
0x1d0: {  	v29 =	vsel vm1, v41, v29  }
0x1d1: {  	(xrf1) =	vsort.dscd.msk.f32 $0xffff, v45, v42  }
0x1d2: {  	v28, v33, _ =	vpop (xrf1);
	(xrf1) =	vsort.dscd.msk.f32 $0xffff, v39, v0  }
0x1d3: {  	(xrf1) =	vsort.dscd.msk.f32 $0xffff, v38, v29;
	v29, v38, _ =	vpop (xrf1)  }
0x1d4: {  	v56 =	vperm.xlane v44, v4;
	(xrf1) =	vsort.dscd.msk.f32 $0xffff, v36, v0;
	v58, v57, _ =	vpop (xrf1)  }
0x1d5: {  	v40 =	vperm.xlane v40, v4;
	v37 =	vperm.xlane v37, v4;
	v59, v60, _ =	vpop (xrf1)  }
0x1d6: {  	vm2 =	vge.f32 v31, v26;
	v34 =	vperm.xlane v34, v4;
	v28 =	vperm.xlane v28, v4;
	v44, v45, _ =	vpop (xrf1)  }
0x1d7: {  	v33 =	vperm.xlane v33, v4;
	v25 =	vsel vm2, v32, v25;
	vm1 =	vge.f32 v29, v56;
	v39, v46, _ =	vpop (xrf1)  }
0x1d8: {  	v26 =	vsel vm2, v31, v26;
	v29 =	vsel vm1, v29, v56;
	v38 =	vsel vm1, v38, v40;
	v47, v48, _ =	vpop (xrf1)  }
0x1d9: {  	vm3 =	vge.f32 v58, v28;
	vm4 =	vge.f32 v59, v35;
	(xrf1) =	vsort.dscd.msk.f32 $0xffff, v29, v38;
	v40, v49, _ =	vpop (xrf1)  }
0x1da: {  	v28 =	vsel vm3, v58, v28;
	v33 =	vsel vm3, v57, v33;
	v35 =	vsel vm4, v59, v35;
	v61, v36, _ =	vpop (xrf1)  }
0x1db: {  	v30 =	vsel vm4, v60, v30;
	(xrf1) =	vsort.dscd.msk.f32 $0xffff, v26, v25;
	vm1 =	vge.f32 v39, v37;
	v62, v63, _ =	vpop (xrf1)  }
0x1dc: {  	(xrf1) =	vsort.dscd.msk.f32 $0xffff, v35, v30;
	v32 =	vperm.xlane v47, v4;
	v52 =	vperm.xlane v48, v4;
	v53, v54, _ =	vpop (xrf1)  }
0x1dd: {  	v34 =	vsel vm1, v46, v34;
	v37 =	vsel vm1, v39, v37;
	v29 =	vperm.xlane v61, v4;
	v55, v56, _ =	vpop (xrf1)  }
0x1de: {  	v36 =	vperm.xlane v36, v4;
	vm1 =	vge.f32 v44, v32;
	v57 =	vperm.xlane v62, v4;
	v59, v60, _ =	vpop (xrf1)  }
0x1df: {  	v58 =	vperm.xlane v63, v4;
	v32 =	vsel vm1, v44, v32;
	v61 =	vperm.xlane v53, v4;
	v42, v25, _ =	vpop (xrf1)  }
0x1e0: {  	v31 =	vsel vm1, v45, v52;
	v43 =	vperm.xlane v54, v4;
	vm2 =	vge.f32 v40, v57;
	v62, v50, _ =	vpop (xrf1)  }
0x1e1: {  	vm3 =	vge.f32 v59, v61;
	v63 =	vsel vm2, v40, v57;
	(xrf1) =	vsort.dscd.msk.f32 $0xffff, v37, v34;
	v44, v26, _ =	vpop (xrf1)  }
0x1e2: {  	v40 =	vsel vm2, v49, v58;
	v41 =	vsel vm3, v60, v43;
	v34, v37, _ =	vpop (xrf1);
	(xrf1) =	vsort.dscd.msk.f32 $0xffff, v28, v33  }
0x1e3: {  	v43 =	vperm.xlane v55, v4;
	vm1 =	vge.f32 v34, v29;
	(xrf1) =	vsort.dscd.msk.f32 $0xffff, v32, v31  }
0x1e4: {  	v29 =	vsel vm1, v34, v29;
	v45 =	vsel vm1, v37, v36;
	(xrf1) =	vsort.dscd.msk.f32 $0xffff, v63, v40  }
0x1e5: {  	v48 =	vperm.xlane v56, v4;
	v47 =	vsel vm3, v59, v61;
	(xrf1) =	vsort.dscd.msk.f32 $0xffff, v29, v45  }
0x1e6: {  	vm1 =	vge.f32 v62, v43;
	(xrf1) =	vsort.dscd.msk.f32 $0xffff, v47, v41  }
0x1e7: {  	v49 =	vsel vm1, v62, v43;
	v50 =	vsel vm1, v50, v48  }
0x1e8: {  	(xrf1) =	vsort.dscd.msk.f32 $0xffff, v49, v50;
	_ =	sdelay $0x3  }
0x1e9: {  	v28, v29, _ =	vpop (xrf1)  }
0x1ea: {  	v30, v31, _ =	vpop (xrf1)  }
0x1eb: {  	v52, v51, _ =	vpop (xrf1)  }
0x1ec: {  	v54, v53, _ =	vpop (xrf1)  }
0x1ed: {  	v36, v37, _ =	vpop (xrf1)  }
0x1ee: {  	(erf) = vpow2.f32 v27;
	v34 =	vperm.xlane v54, v4;
	v38, v39, _ =	vpop (xrf1)  }
0x1ef: {  	v55 =	vperm.xlane v53, v4;
	v36 =	vperm.xlane v36, v4;
	v57, v56, _ =	vpop (xrf1)  }
0x1f0: {  	v33 =	vperm.xlane v51, v4;
	v37 =	vperm.xlane v37, v4;
	vm1 =	vge.f32 v57, v34;
	v58, v43, _ =	vpop (xrf1)  }
0x1f1: {  	v40 =	vsel vm1, v56, v55;
	v59, v60, _ =	vpop (xrf1);
	v34 =	vsel vm1, v57, v34;
	vm1 =	vge.f32 v58, v36  }
0x1f2: {  	v32 =	vperm.xlane v52, v4;
	v61 =	vperm.xlane v59, v4;
	v36 =	vsel vm1, v58, v36  }
0x1f3: {  	v37 =	vsel vm1, v43, v37;
	v62 =	vperm.xlane v60, v4;
	v48, v63, _ =	vpop (xrf1);
	(xrf1) =	vsort.dscd.msk.f32 $0xffff, v34, v40  }
0x1f4: {  	v27 =	vpop (erf);
	vm1 =	vge.f32 v38, v32;
	(xrf1) =	vsort.dscd.msk.f32 $0xffff, v36, v37;
	vm2 =	vge.f32 v48, v61  }
0x1f5: {  	(xrf2) =	vadd.scan.msk.f32 $0xffff, v27;
	v32 =	vsel vm1, v38, v32;
	v49 =	vsel vm2, v48, v61;
	v50 =	vsel vm2, v63, v62  }
0x1f6: {  	v33 =	vsel vm1, v39, v33;
	(xrf1) =	vsort.dscd.msk.f32 $0xffff, v49, v50  }
0x1f7: {  	(xrf1) =	vsort.dscd.msk.f32 $0xffff, v32, v33  }
0x1f8: {  	v32 =	vpop (erf)  }
0x1f9: {  	(xrf2) =	vadd.scan.msk.f32 $0xffff, v32  }
0x1fa: {  	v51 =	vperm.xlane v24, v8;
	v52 =	vperm.xlane v24, v7;
	_ =	sdelay $0x1  }
0x1fb: {  	v53 =	vperm.xlane v44, v5;
	v33 =	vsub.f32 v51, v52;
	_ =	sdelay $0x1  }
0x1fc: {  	v30 =	vperm.xlane v30, v5;
	v34 =	vsel vm0, v42, v53;
	v24 =	vsel vm0, v52, v33  }
0x1fd: {  	v55 =	vperm.xlane v34, v6  }
0x1fe: {  	v30 =	vsel vm0, v28, v30;
	v54, _, _ =	vpop (xrf2)  }
0x1ff: {  	(erf) = vrcp.f32 v23;
	v59 =	vperm.xlane v30, v6;
	v34 =	vsub.f32 v34, v55;
	v56, v23, _ =	vpop (xrf1)  }
0x200: {  	v35 =	vperm.xlane v54, v8;
	(erf) = vrcp.f32 v24;
	v57, v24, _ =	vpop (xrf1)  }
0x201: {  	v58 =	vperm.xlane v54, v7;
	v30 =	vsub.f32 v30, v59;
	v34 =	vmul.f32 $1.442695020e+00, v34;
	v62, _, _ =	vpop (xrf2)  }
0x202: {  	v36 =	vperm.xlane v57, v5;
	v60, v28, _ =	vpop (xrf1)  }
0x203: {  	v35 =	vsub.f32 v35, v58;
	v30 =	vmul.f32 $1.442695020e+00, v30;
	(erf) = vpow2.f32 v34;
	v61, v41, _ =	vpop (xrf1)  }
0x204: {  	v44 =	vperm.xlane v62, v8;
	v33 =	vsel vm0, v56, v36;
	v63 =	vperm.xlane v61, v5  }
0x205: {  	v45 =	vperm.xlane v62, v7;
	v46 =	vperm.xlane v33, v6  }
0x206: {  	v35 =	vsel vm0, v58, v35;
	(erf) = vpow2.f32 v30;
	v38 =	vsel vm0, v60, v63  }
0x207: {  	v34 =	vsub.f32 v44, v45;
	v33 =	vsub.f32 v33, v46;
	v39 =	vperm.xlane v38, v6  }
0x208: {  	(erf) = vrcp.f32 v35  }
0x209: {  	v34 =	vsel vm0, v45, v34;
	v33 =	vmul.f32 $1.442695020e+00, v33;
	v47 =	vsub.f32 v38, v39  }
0x20a: {  	(erf) = vrcp.f32 v34  }
0x20b: {  	(erf) = vpow2.f32 v33;
	v30 =	vmul.f32 $1.442695020e+00, v47;
	_ =	sdelay $0x1  }
0x20c: {  	v33 =	vpop (erf);
	(erf) = vpow2.f32 v30;
	_ =	sdelay $0x1  }
0x20d: {  	v48 =	vpop (erf)  }
0x20e: {  	v34 =	vpop (erf)  }
0x20f: {  	(xrf2) =	vadd.scan.msk.f32 $0xffff, v34;
	v35 =	vpop (erf)  }
0x210: {  	(xrf2) =	vadd.scan.msk.f32 $0xffff, v35;
	v36 =	vpop (erf)  }
0x211: {  	v37 =	vpop (erf)  }
0x212: {  	v38 =	vpop (erf)  }
0x213: {  	(xrf2) =	vadd.scan.msk.f32 $0xffff, v38  }
0x214: {  	v39 =	vpop (erf)  }
0x215: {  	(xrf2) =	vadd.scan.msk.f32 $0xffff, v39  }
0x216: {  	v19 =	vand.u32 $0x7D, v19;
	v16 =	vor.u32 v9, v16;
	v14 =	vor.u32 v14, v15  }
0x217: {  	s12 =	sadd.s32 $0x4, s12;
	v20 =	vor.u32 v20, v21;
	v19 =	vor.u32 v22, v19;
	v14 =	vor.u32 v9, v14  }
0x218: {  	s13 =	sadd.s32 $0xFFFFFFFE, s12;
	s14 =	sadd.s32 $0xFFFFFFFF, s12;
	v20 =	vor.u32 v9, v20;
	v26 =	vperm.xlane v26, v5;
	v50 =	vmov s12  }
0x219: {  	v31 =	vperm.xlane v31, v5;
	v51 =	vmov s13;
	v53 =	vsel vm0, s14, v50;
	v49, _, _ =	vpop (xrf2)  }
0x21a: {  	s29 =	sadd.s32 $0xFFFFFFFD, s12;
	v50 =	vor.u32 v9, v19;
	v52 =	vperm.xlane v49, v7;
	v40 =	vperm.xlane v49, v8;
	v54, _, _ =	vpop (xrf2)  }
0x21b: {  	s12 =	sadd.s32 $0x4, s12;
	v43 =	vsel vm0, s29, v51;
	v57 =	vperm.xlane v54, v8;
	v42 =	vperm.xlane v54, v7  }
0x21c: {  	s30 =	sadd.s32 $0xFFFFFFFE, s12;
	v55 =	vshll.u32 v53, $0x3;
	v56 =	vshll.u32 v43, $0x3;
	v40 =	vsub.f32 v40, v52  }
0x21d: {  	v51 =	vmov s30;
	v46 =	vand.u32 $0x7FFFFC00, v56;
	v60 =	vsub.f32 v57, v42;
	v59, _, _ =	vpop (xrf2)  }
0x21e: {  	v58 =	vsel vm0, v52, v40;
	v61 =	vperm.xlane v59, v7;
	v40 =	vperm.xlane v59, v8  }
0x21f: {  	v13 =	vmul.f32 v48, v13;
	(erf) = vrcp.f32 v58;
	v15 =	vsel vm0, v42, v60;
	v62, _, _ =	vpop (xrf2)  }
0x220: {  	v40 =	vsub.f32 v40, v61;
	v63 =	vperm.xlane v62, v8;
	v47 =	vperm.xlane v62, v7  }
0x221: {  	v12 =	vmul.f32 v33, v12;
	v48 =	vand.u32 $0x7F, v53;
	[tilespmem:v14+s9+$0x0] =	vst.idx.msk $0xffff, v13;
	(erf) = vrcp.f32 v15  }
0x222: {  	[tilespmem:v14+s10+$0x0] =	vst.idx.msk $0xffff, v10;
	v10 =	vand.u32 $0x7D, v43;
	v15 =	vsel vm0, v61, v40;
	v42 =	vsub.f32 v63, v47  }
0x223: {  	s31 =	sadd.s32 $0xFFFFFFFF, s12;
	[tilespmem:v16+s9+$0x0] =	vst.idx.msk $0xffff, v12;
	v10 =	vor.u32 v46, v10;
	v49 =	vmov s12;
	(erf) = vrcp.f32 v15  }
0x224: {  	[tilespmem:v16+s10+$0x0] =	vst.idx.msk $0xffff, v11;
	v10 =	vor.u32 v9, v10;
	s12 =	sadd.s32 $0xFFFFFFFD, s12;
	v11 =	vsel vm0, s31, v49;
	v44 =	vsel vm0, v47, v42  }
0x225: {  	v12 =	vsel vm0, s12, v51;
	v52 =	vmul.f32 v37, v32;
	(erf) = vrcp.f32 v44  }
0x226: {  	v54 =	vshll.u32 v11, $0x3;
	v11 =	vand.u32 $0x7F, v11;
	v47 =	vand.u32 $0x7FFFFC00, v55  }
0x227: {  	v57 =	vshll.u32 v12, $0x3;
	[tilespmem:v20+s9+$0x0] =	vst.idx.msk $0xffff, v52;
	v55 =	vmul.f32 v36, v27;
	v13 =	vor.u32 v47, v48  }
0x228: {  	v12 =	vand.u32 $0x7D, v12;
	v58 =	vand.u32 $0x7FFFFC00, v57;
	[tilespmem:v20+s10+$0x0] =	vst.idx.msk $0xffff, v17;
	v53 =	vpop (erf);
	v13 =	vor.u32 v9, v13  }
0x229: {  	v16 =	vand.u32 $0x7FFFFC00, v54;
	v12 =	vor.u32 v58, v12;
	[tilespmem:v50+s9+$0x0] =	vst.idx.msk $0xffff, v55;
	v14 =	vmul.f32 v53, v34  }
0x22a: {  	v11 =	vor.u32 v16, v11;
	v12 =	vor.u32 v9, v12;
	v56 =	vpop (erf);
	[tilespmem:v50+s10+$0x0] =	vst.idx.msk $0xffff, v18  }
0x22b: {  	v62 =	vsel vm0, v25, v26;
	v17 =	vmul.f32 v56, v35;
	[tilespmem:v10+s9+$0x0] =	vst.idx.msk $0xffff, v14  }
0x22c: {  	v29 =	vsel vm0, v29, v31;
	v11 =	vor.u32 v9, v11;
	[tilespmem:v10+s10+$0x0] =	vst.idx.msk $0xffff, v62;
	v59 =	vpop (erf)  }
0x22d: {  	v10 =	vperm.xlane v24, v5;
	[tilespmem:v13+s9+$0x0] =	vst.idx.msk $0xffff, v17;
	v15 =	vmul.f32 v59, v38  }
0x22e: {  	v60 =	vperm.xlane v41, v5;
	[tilespmem:v13+s10+$0x0] =	vst.idx.msk $0xffff, v29;
	v61 =	vpop (erf)  }
0x22f: {  	v10 =	vsel vm0, v23, v10;
	[tilespmem:v12+s9+$0x0] =	vst.idx.msk $0xffff, v15;
	v13 =	vmul.f32 v61, v39  }
0x230: {  	[tilespmem:v12+s10+$0x0] =	vst.idx.msk $0xffff, v10  }
0x231: {  	v63 =	vsel vm0, v28, v60;
	[tilespmem:v11+s9+$0x0] =	vst.idx.msk $0xffff, v13  }
0x232: {  	[tilespmem:v11+s10+$0x0] =	vst.idx.msk $0xffff, v63  }
0x233: {  	[hbm4b:s5+s2] =	stream.linear.scatter [tilespmem:s9], [sflag:$0x1], $0x2000, $0x38;
	[tilespmem:$0x14000] =	vst v63  }
0x234: {  	s11 =	sadd.s32 $0x1, s11;
	_ =	swait.ge [sflag:s8], $0x2000  }
0x235: {  	p0 =	sne.s32 s11, s7;
	[sflag:s8] =	ssyncset.done $0x0  }
.Ltmp2:
0x236: {  	[sflag:s8] =	ssyncadd.s32 $0xFFFFE000;
	(pc) =	sbr.rel @p0 .LBB2_1-.Ltmp2, $4  }
0x237: {  	[hbm4b:s6+s2] =	stream.linear.scatter [tilespmem:s10], [sflag:$0x1], $0x2000, $0x38;
	[tilespmem:$0x14000] =	vst v63  }
0x238: {  	_ =	swait.ge [sflag:s8], $0x2000  }
0x239: {  	[sflag:s8] =	ssyncset.done $0x0  }
0x23a: {  	[sflag:s8] =	ssyncadd.s32 $0xFFFFE000  }
0x23b: {  	_ =	sfence.sel $0x180000  }
0x23c: {  	[bflag:$0x0] =	sbarrier.arrive $0xFFFF  }
0x23d: {  	p0 =	sne.s32 s0, $0x0;
	_ =	strace $0x90000047  }
0x23e: {  	s0 =	sadd.s32 @!p0 $0x100000, s1;
	[bflag:$0x2] =	sbarrier.arrive $0xFFFF  }
0x23f: {  	[sflag:s0] =	ssyncadd.tile.s32 @!p0 $0x1;
	_ =	shalt  }
.Lfunc_end2:
_tile_overlayer_lowered:
.L_overlay_start_2:
0x240: {  	(tag) =	ssettag $0x2  }
0x241: {  	s0 =	rddreg [dreg:$0x0];
	s2 =	stileid.u32  }
0x242: {  	s1 =	rddreg [dreg:$0x1];
	p0 =	sne.s32 s2, $0x0  }
0x243: {  	s3 =	rddreg [dreg:$0x2];
	[bflag:$0x3] =	sbarrier.arrive $0xFFFF;
	s2 =	simm.s32 @!p0 $0x1C01  }
0x244: {  	[timem:s3], [sflag:s2] =	dma.local @!p0 [hbm:s0], s1  }
0x245: {  	s0 =	simm.s32 @!p0 $0x1  }
0x246: {  	_ =	swait.ge @!p0 [sflag:s0], s1  }
0x247: {  	s1 =	ssub.s32 @!p0 $0x0, s1;
	[sflag:s0] =	ssyncset.done @!p0 $0x0  }
0x248: {  	[sflag:s0] =	ssyncadd.s32 @!p0 s1  }
0x249: {  	[bflag:$0x3] =	sbarrier.arrive $0xFFFF  }
0x24a: {  	_ =	shalt  }

</sc_bundles>
